<compile_context>
chip_gen: v7x
topology: tpu7x:2x2x1
jax: 0.10.2.dev20260603
libtpu: 0.0.44.dev20260713+nightly
codegen_flags: <defaults>
</compile_context>

<pallas_src>
import functools

import jax
import jax.numpy as jnp
from jax import lax
from jax.experimental import pallas as pl
from jax.experimental.pallas import tpu as pltpu
from jax.experimental.pallas import tpu_sc as plsc

D = 64
B = 4096
C = 10
RPE = 210
TILES = 14
RPAD = TILES * 16
NW = 32
EPW = B // NW
NBUF = 4


def _make_sc_scores():
  mesh = plsc.VectorSubcoreMesh(core_axis_name="c", subcore_axis_name="s")

  @functools.partial(
      pl.kernel,
      mesh=mesh,
      out_type=jax.ShapeDtypeStruct((B, RPAD), jnp.float32),
      compiler_params=pltpu.CompilerParams(
          needs_layout_passes=False, use_tc_tiling_on_sc=False),
      scratch_types=[
          pltpu.VMEM((EPW * RPAD,), jnp.int32),
          pltpu.VMEM((EPW, D), jnp.float32),
          pltpu.VMEM((NBUF, RPAD, D), jnp.float32),
          pltpu.VMEM((NBUF, RPAD), jnp.float32),
          pltpu.SemaphoreType.DMA((NBUF,)),
          pltpu.SemaphoreType.DMA((NBUF,)),
      ],
  )
  def sc(idx_hbm, iv_hbm, ovec_hbm, out_hbm,
         idx_v, iv_v, rows_v, scs_v, rsem, ssem):
    wid = lax.axis_index("s") * 2 + lax.axis_index("c")
    base = wid * EPW

    pltpu.sync_copy(idx_hbm.at[pl.ds(base * RPAD, EPW * RPAD)], idx_v)
    pltpu.sync_copy(iv_hbm.at[pl.ds(base, EPW)], iv_v)

    HSTREAM = RPAD // 2

    def enqueue(e, slot):
      for j in range(2):
        pltpu.async_copy(
            ovec_hbm.at[idx_v.at[pl.ds(e * RPAD + j * HSTREAM, HSTREAM)]],
            rows_v.at[slot, pl.ds(j * HSTREAM, HSTREAM)], rsem.at[slot])

    def drain(e, slot):
      for j in range(2):
        pltpu.make_async_copy(
            ovec_hbm.at[idx_v.at[pl.ds(e * RPAD + j * HSTREAM, HSTREAM)]],
            rows_v.at[slot, pl.ds(j * HSTREAM, HSTREAM)], rsem.at[slot]).wait()

    def put_scores(e, slot):
      pltpu.async_copy(scs_v.at[slot], out_hbm.at[base + e], ssem.at[slot])

    def drain_scores(e, slot):
      pltpu.make_async_copy(scs_v.at[slot], out_hbm.at[base + e],
                            ssem.at[slot]).wait()

    iota = lax.iota(jnp.int32, 16)

    def compute(e, slot):
      r = rows_v.at[slot]
      sc_o = scs_v.at[slot]

      def tile_body(t, _):
        row_idx = t * 16 + iota

        def dchunk(dc, acc):
          ivc = iv_v[e, pl.ds(dc * 16, 16)]
          col0 = dc * 16
          for k in range(16):
            col = jnp.full((16,), k, jnp.int32) + col0
            v = plsc.load_gather(r, [row_idx, col])
            acc = acc + v * ivc[k]
          return acc

        acc = lax.fori_loop(0, D // 16, dchunk, jnp.zeros((16,), jnp.float32))
        sc_o[pl.ds(t * 16, 16)] = acc
        return 0

      lax.fori_loop(0, TILES, tile_body, 0)

    for b in range(NBUF):
      enqueue(b, b)

    def elem(e, _):
      slot = lax.rem(e, NBUF)

      @pl.when(e >= NBUF)
      def _():
        drain_scores(e - NBUF, slot)

      drain(e, slot)

      @pl.when(e < EPW - NBUF)
      def _():
        enqueue(e + NBUF, slot)

      compute(e, slot)
      put_scores(e, slot)
      return 0

    lax.fori_loop(0, EPW, elem, 0)
    for b in range(NBUF):
      drain_scores(EPW - NBUF + b, b)

  return sc


_sc_scores = _make_sc_scores()


def _loss_body(s_ref, out_ref):
  s = s_ref[...]
  col = lax.broadcasted_iota(jnp.int32, s.shape, 1)
  x = jnp.where(col < C, -s, s)
  sp = jnp.logaddexp(x, 0.0)
  sp = jnp.where(col < RPE, sp, 0.0)
  out_ref[0, 0] = jnp.sum(sp) * (1.0 / (B * C))


_loss_tc = pl.pallas_call(
    _loss_body,
    out_shape=jax.ShapeDtypeStruct((1, 1), jnp.float32),
    out_specs=pl.BlockSpec(memory_space=pltpu.SMEM),
)


def kernel(iword, owords, nwords, ivec_table, ovec_table):
  ow = owords.astype(jnp.int32)
  nw = nwords.astype(jnp.int32)
  idx = jnp.concatenate([ow, nw, nw[:, :RPAD - RPE]], axis=1).reshape(-1)
  iv = jnp.take(ivec_table, iword, axis=0)
  scores = _sc_scores(idx, iv, ovec_table)
  return _loss_tc(scores)[0, 0]

# --- scband reference (transcript-rebuilt; emitter-appended) ---
"""Pipeline reference for scband-sgns-78314433675759 (READ-ONLY COPY).

The authoritative reference and input builder live on the scoring server;
editing this copy changes nothing except your own understanding.
"""

import jax, jax.numpy as jnp
import numpy as np

VOCAB = 1000000
EMBED_DIM = 64
BATCH = 4096
CONTEXT = 10  # window_size * 2
NEG = 20

def setup_inputs(seed: int = 0) -> dict:
    key = jax.random.key(seed)
    k1, k2, k3, k4, k5 = jax.random.split(key, 5)
    iword = jax.random.randint(k1, (BATCH,), 0, VOCAB, dtype=jnp.int64) if jax.config.jax_enable_x64 else jax.random.randint(k1, (BATCH,), 0, VOCAB).astype(jnp.int32)
    owords = jax.random.randint(k2, (BATCH, CONTEXT), 0, VOCAB).astype(iword.dtype)
    nwords = jax.random.randint(k3, (BATCH, CONTEXT * NEG), 0, VOCAB).astype(iword.dtype)
    ivec_table = jax.random.normal(k4, (VOCAB, EMBED_DIM), dtype=jnp.float32) * 0.02
    ovec_table = jax.random.normal(k5, (VOCAB, EMBED_DIM), dtype=jnp.float32) * 0.02
    return {"iword": iword, "owords": owords, "nwords": nwords, "ivec_table": ivec_table, "ovec_table": ovec_table}

def reference(iword, owords, nwords, ivec_table, ovec_table):
    # embedding_model(iword, is_input=True) -> input-embedding lookup
    iv = jnp.take(ivec_table, iword, axis=0)                 # [B, d]
    # embedding_model(owords, is_input=False) -> output-embedding lookup
    ov = jnp.take(ovec_table, owords, axis=0)                # [B, C, d]
    nv = -jnp.take(ovec_table, nwords, axis=0)               # [B, C*K, d]
    # bmm(ovectors, ivectors.unsqueeze(2)).squeeze()
    o_score = jnp.einsum('bcd,bd->bc', ov, iv)               # [B, C]
    n_score = jnp.einsum('bkd,bd->bk', nv, iv)               # [B, C*K]
    nll = -jax.nn.log_sigmoid(o_score).mean(axis=1)          # [B]
    nll_neg = -jax.nn.log_sigmoid(n_score)
    nll_neg = nll_neg.reshape(-1, CONTEXT, NEG).sum(axis=2).mean(axis=1)  # [B]
    loss = (nll + nll_neg).mean()
    return loss

if False:  # reference __main__ guard neutralized (emitter)
    inp = setup_inputs()
    out = reference(**inp)
    print(out)

if __name__ == "__main__":
    import jax
    _d = setup_inputs()
    print(jax.jit(kernel)(*tuple(_d.values())))

</pallas_src>

<mosaic_0001>
#map = affine_map<(d0, d1) -> (0)>
#map1 = affine_map<(d0, d1) -> (0, 0)>
module attributes {stable_mosaic.version = 14 : i64} {
  func.func @sc(%arg0: i32, %arg1: i32, %arg2: memref<917504xi32, #tpu.memory_space<hbm>>, %arg3: memref<4096x64xf32, #tpu.memory_space<hbm>>, %arg4: memref<1000000x64xf32, #tpu.memory_space<hbm>>, %arg5: memref<4096x224xf32, #tpu.memory_space<hbm>>, %arg6: memref<28672xi32, #tpu.memory_space<vmem>>, %arg7: memref<128x64xf32, #tpu.memory_space<vmem>>, %arg8: memref<4x224x64xf32, #tpu.memory_space<vmem>>, %arg9: memref<4x224xf32, #tpu.memory_space<vmem>>, %arg10: memref<4x!tpu.dma_semaphore, #tpu.memory_space<semaphore_mem>>, %arg11: memref<4x!tpu.dma_semaphore, #tpu.memory_space<semaphore_mem>>) attributes {dimension_semantics = [#tpu.dimension_semantics<core_parallel>, #tpu.dimension_semantics<subcore_parallel>], iteration_bounds = array<i64: 2, 16>, scalar_prefetch = 0 : i64, scratch_operands = 6 : i64, tpu.core_type = #tpu.core_type<sc_vector_subcore>, window_params = [{transform_indices = #map}, {transform_indices = #map1}, {transform_indices = #map1}, {transform_indices = #map1}]} {
    %mul3A = arith.constant 2 : i32
    %mul3A_0 = arith.muli %arg1, %mul3A : i32
    %add3A = arith.addi %mul3A_0, %arg0 : i32
    %mul3A_1 = arith.constant 128 : i32
    %mul3A_2 = arith.muli %add3A, %mul3A_1 : i32
    %mul3A_3 = arith.constant 224 : i32
    %mul3A_4 = arith.muli %mul3A_2, %mul3A_3 : i32
    "tpu.region"() ({
      %run_scoped3A = tpu.sem_alloc : memref<!tpu.dma_semaphore, #tpu.memory_space<semaphore_mem>>
      %dma_start3A_185 = tpu.memref_slice %arg2[%mul3A_4] : memref<917504xi32, #tpu.memory_space<hbm>> -> memref<28672xi32, #tpu.memory_space<hbm>>
      %dma_start3A_186 = tpu.memref_slice %arg2[%mul3A_4] : memref<917504xi32, #tpu.memory_space<hbm>> -> memref<28672xi32, #tpu.memory_space<hbm>>
      tpu.enqueue_dma source(%dma_start3A_186 : memref<28672xi32, #tpu.memory_space<hbm>>) target(%arg6 : memref<28672xi32, #tpu.memory_space<vmem>>) target_semaphore(%run_scoped3A : memref<!tpu.dma_semaphore, #tpu.memory_space<semaphore_mem>>)
      %dma_wait3A_187 = tpu.memref_slice %arg2[%mul3A_4] : memref<917504xi32, #tpu.memory_space<hbm>> -> memref<28672xi32, #tpu.memory_space<hbm>>
      %dma_wait3A_188 = tpu.memref_slice %arg2[%mul3A_4] : memref<917504xi32, #tpu.memory_space<hbm>> -> memref<28672xi32, #tpu.memory_space<hbm>>
      tpu.wait_dma2 semaphore(%run_scoped3A : memref<!tpu.dma_semaphore, #tpu.memory_space<semaphore_mem>>) src(%dma_wait3A_188 : memref<28672xi32, #tpu.memory_space<hbm>>) dst(%arg6 : memref<28672xi32, #tpu.memory_space<vmem>>)
      tpu.yield
    }) : () -> ()
    "tpu.region"() ({
      %run_scoped3A = tpu.sem_alloc : memref<!tpu.dma_semaphore, #tpu.memory_space<semaphore_mem>>
      %dma_start3A_185 = arith.constant 0 : i32
      %dma_start3A_186 = tpu.memref_slice %arg3[%mul3A_2, %dma_start3A_185] : memref<4096x64xf32, #tpu.memory_space<hbm>> -> memref<128x64xf32, #tpu.memory_space<hbm>>
      %dma_start3A_187 = arith.constant 0 : i32
      %dma_start3A_188 = tpu.memref_slice %arg3[%mul3A_2, %dma_start3A_187] : memref<4096x64xf32, #tpu.memory_space<hbm>> -> memref<128x64xf32, #tpu.memory_space<hbm>>
      tpu.enqueue_dma source(%dma_start3A_188 : memref<128x64xf32, #tpu.memory_space<hbm>>) target(%arg7 : memref<128x64xf32, #tpu.memory_space<vmem>>) target_semaphore(%run_scoped3A : memref<!tpu.dma_semaphore, #tpu.memory_space<semaphore_mem>>)
      %dma_wait3A_189 = arith.constant 0 : i32
      %dma_wait3A_190 = tpu.memref_slice %arg3[%mul3A_2, %dma_wait3A_189] : memref<4096x64xf32, #tpu.memory_space<hbm>> -> memref<128x64xf32, #tpu.memory_space<hbm>>
      %dma_wait3A_191 = arith.constant 0 : i32
      %dma_wait3A_192 = tpu.memref_slice %arg3[%mul3A_2, %dma_wait3A_191] : memref<4096x64xf32, #tpu.memory_space<hbm>> -> memref<128x64xf32, #tpu.memory_space<hbm>>
      tpu.wait_dma2 semaphore(%run_scoped3A : memref<!tpu.dma_semaphore, #tpu.memory_space<semaphore_mem>>) src(%dma_wait3A_192 : memref<128x64xf32, #tpu.memory_space<hbm>>) dst(%arg7 : memref<128x64xf32, #tpu.memory_space<vmem>>)
      tpu.yield
    }) : () -> ()
    %iota3A = tpu.iota {dimensions = array<i32: 0>} : vector<16xi32>
    %dma_start3A = arith.constant 0 : i32
    %dma_start3A_5 = arith.constant 0 : i32
    %dma_start3A_6 = arith.constant 0 : i32
    %dma_start3A_7 = arith.constant 0 : i32
    %dma_start3A_8 = tpu.memref_slice %arg8[%dma_start3A, %dma_start3A_6, %dma_start3A_7] : memref<4x224x64xf32, #tpu.memory_space<vmem>> -> memref<1x112x64xf32, #tpu.memory_space<vmem>>
    %dma_start3A_9 = tpu.memref_squeeze %dma_start3A_8 : memref<1x112x64xf32, #tpu.memory_space<vmem>> -> memref<112x64xf32, #tpu.memory_space<vmem>>
    %dma_start3A_10 = arith.constant 0 : i32
    %dma_start3A_11 = tpu.memref_slice %arg6[%dma_start3A_10] : memref<28672xi32, #tpu.memory_space<vmem>> -> memref<112xi32, #tpu.memory_space<vmem>>
    %dma_start3A_12 = arith.constant 0 : i32
    %dma_start3A_13 = arith.constant 0 : i32
    %dma_start3A_14 = tpu.memref_slice %arg4[%dma_start3A_12, %dma_start3A_13] : memref<1000000x64xf32, #tpu.memory_space<hbm>> -> memref<1000000x64xf32, #tpu.memory_space<hbm>>
    %dma_start3A_15 = tpu.memref_slice %arg10[%dma_start3A_5] : memref<4x!tpu.dma_semaphore, #tpu.memory_space<semaphore_mem>> -> memref<1x!tpu.dma_semaphore, #tpu.memory_space<semaphore_mem>>
    %dma_start3A_16 = tpu.memref_squeeze %dma_start3A_15 : memref<1x!tpu.dma_semaphore, #tpu.memory_space<semaphore_mem>> -> memref<!tpu.dma_semaphore, #tpu.memory_space<semaphore_mem>>
    tpu.enqueue_indirect_dma source(%dma_start3A_14 : memref<1000000x64xf32, #tpu.memory_space<hbm>>) target(%dma_start3A_9 : memref<112x64xf32, #tpu.memory_space<vmem>>) offsets(%dma_start3A_11 : memref<112xi32, #tpu.memory_space<vmem>>) semaphore(%dma_start3A_16 : memref<!tpu.dma_semaphore, #tpu.memory_space<semaphore_mem>>)
    %dma_start3A_17 = arith.constant 0 : i32
    %dma_start3A_18 = arith.constant 0 : i32
    %dma_start3A_19 = arith.constant 112 : i32
    %dma_start3A_20 = arith.constant 0 : i32
    %dma_start3A_21 = tpu.memref_slice %arg8[%dma_start3A_17, %dma_start3A_19, %dma_start3A_20] : memref<4x224x64xf32, #tpu.memory_space<vmem>> -> memref<1x112x64xf32, #tpu.memory_space<vmem>>
    %dma_start3A_22 = tpu.memref_squeeze %dma_start3A_21 : memref<1x112x64xf32, #tpu.memory_space<vmem>> -> memref<112x64xf32, #tpu.memory_space<vmem>>
    %dma_start3A_23 = arith.constant 112 : i32
    %dma_start3A_24 = tpu.memref_slice %arg6[%dma_start3A_23] : memref<28672xi32, #tpu.memory_space<vmem>> -> memref<112xi32, #tpu.memory_space<vmem>>
    %dma_start3A_25 = arith.constant 0 : i32
    %dma_start3A_26 = arith.constant 0 : i32
    %dma_start3A_27 = tpu.memref_slice %arg4[%dma_start3A_25, %dma_start3A_26] : memref<1000000x64xf32, #tpu.memory_space<hbm>> -> memref<1000000x64xf32, #tpu.memory_space<hbm>>
    %dma_start3A_28 = tpu.memref_slice %arg10[%dma_start3A_18] : memref<4x!tpu.dma_semaphore, #tpu.memory_space<semaphore_mem>> -> memref<1x!tpu.dma_semaphore, #tpu.memory_space<semaphore_mem>>
    %dma_start3A_29 = tpu.memref_squeeze %dma_start3A_28 : memref<1x!tpu.dma_semaphore, #tpu.memory_space<semaphore_mem>> -> memref<!tpu.dma_semaphore, #tpu.memory_space<semaphore_mem>>
    tpu.enqueue_indirect_dma source(%dma_start3A_27 : memref<1000000x64xf32, #tpu.memory_space<hbm>>) target(%dma_start3A_22 : memref<112x64xf32, #tpu.memory_space<vmem>>) offsets(%dma_start3A_24 : memref<112xi32, #tpu.memory_space<vmem>>) semaphore(%dma_start3A_29 : memref<!tpu.dma_semaphore, #tpu.memory_space<semaphore_mem>>)
    %dma_start3A_30 = arith.constant 1 : i32
    %dma_start3A_31 = arith.constant 1 : i32
    %dma_start3A_32 = arith.constant 0 : i32
    %dma_start3A_33 = arith.constant 0 : i32
    %dma_start3A_34 = tpu.memref_slice %arg8[%dma_start3A_30, %dma_start3A_32, %dma_start3A_33] : memref<4x224x64xf32, #tpu.memory_space<vmem>> -> memref<1x112x64xf32, #tpu.memory_space<vmem>>
    %dma_start3A_35 = tpu.memref_squeeze %dma_start3A_34 : memref<1x112x64xf32, #tpu.memory_space<vmem>> -> memref<112x64xf32, #tpu.memory_space<vmem>>
    %dma_start3A_36 = arith.constant 224 : i32
    %dma_start3A_37 = tpu.memref_slice %arg6[%dma_start3A_36] : memref<28672xi32, #tpu.memory_space<vmem>> -> memref<112xi32, #tpu.memory_space<vmem>>
    %dma_start3A_38 = arith.constant 0 : i32
    %dma_start3A_39 = arith.constant 0 : i32
    %dma_start3A_40 = tpu.memref_slice %arg4[%dma_start3A_38, %dma_start3A_39] : memref<1000000x64xf32, #tpu.memory_space<hbm>> -> memref<1000000x64xf32, #tpu.memory_space<hbm>>
    %dma_start3A_41 = tpu.memref_slice %arg10[%dma_start3A_31] : memref<4x!tpu.dma_semaphore, #tpu.memory_space<semaphore_mem>> -> memref<1x!tpu.dma_semaphore, #tpu.memory_space<semaphore_mem>>
    %dma_start3A_42 = tpu.memref_squeeze %dma_start3A_41 : memref<1x!tpu.dma_semaphore, #tpu.memory_space<semaphore_mem>> -> memref<!tpu.dma_semaphore, #tpu.memory_space<semaphore_mem>>
    tpu.enqueue_indirect_dma source(%dma_start3A_40 : memref<1000000x64xf32, #tpu.memory_space<hbm>>) target(%dma_start3A_35 : memref<112x64xf32, #tpu.memory_space<vmem>>) offsets(%dma_start3A_37 : memref<112xi32, #tpu.memory_space<vmem>>) semaphore(%dma_start3A_42 : memref<!tpu.dma_semaphore, #tpu.memory_space<semaphore_mem>>)
    %dma_start3A_43 = arith.constant 1 : i32
    %dma_start3A_44 = arith.constant 1 : i32
    %dma_start3A_45 = arith.constant 112 : i32
    %dma_start3A_46 = arith.constant 0 : i32
    %dma_start3A_47 = tpu.memref_slice %arg8[%dma_start3A_43, %dma_start3A_45, %dma_start3A_46] : memref<4x224x64xf32, #tpu.memory_space<vmem>> -> memref<1x112x64xf32, #tpu.memory_space<vmem>>
    %dma_start3A_48 = tpu.memref_squeeze %dma_start3A_47 : memref<1x112x64xf32, #tpu.memory_space<vmem>> -> memref<112x64xf32, #tpu.memory_space<vmem>>
    %dma_start3A_49 = arith.constant 336 : i32
    %dma_start3A_50 = tpu.memref_slice %arg6[%dma_start3A_49] : memref<28672xi32, #tpu.memory_space<vmem>> -> memref<112xi32, #tpu.memory_space<vmem>>
    %dma_start3A_51 = arith.constant 0 : i32
    %dma_start3A_52 = arith.constant 0 : i32
    %dma_start3A_53 = tpu.memref_slice %arg4[%dma_start3A_51, %dma_start3A_52] : memref<1000000x64xf32, #tpu.memory_space<hbm>> -> memref<1000000x64xf32, #tpu.memory_space<hbm>>
    %dma_start3A_54 = tpu.memref_slice %arg10[%dma_start3A_44] : memref<4x!tpu.dma_semaphore, #tpu.memory_space<semaphore_mem>> -> memref<1x!tpu.dma_semaphore, #tpu.memory_space<semaphore_mem>>
    %dma_start3A_55 = tpu.memref_squeeze %dma_start3A_54 : memref<1x!tpu.dma_semaphore, #tpu.memory_space<semaphore_mem>> -> memref<!tpu.dma_semaphore, #tpu.memory_space<semaphore_mem>>
    tpu.enqueue_indirect_dma source(%dma_start3A_53 : memref<1000000x64xf32, #tpu.memory_space<hbm>>) target(%dma_start3A_48 : memref<112x64xf32, #tpu.memory_space<vmem>>) offsets(%dma_start3A_50 : memref<112xi32, #tpu.memory_space<vmem>>) semaphore(%dma_start3A_55 : memref<!tpu.dma_semaphore, #tpu.memory_space<semaphore_mem>>)
    %dma_start3A_56 = arith.constant 2 : i32
    %dma_start3A_57 = arith.constant 2 : i32
    %dma_start3A_58 = arith.constant 0 : i32
    %dma_start3A_59 = arith.constant 0 : i32
    %dma_start3A_60 = tpu.memref_slice %arg8[%dma_start3A_56, %dma_start3A_58, %dma_start3A_59] : memref<4x224x64xf32, #tpu.memory_space<vmem>> -> memref<1x112x64xf32, #tpu.memory_space<vmem>>
    %dma_start3A_61 = tpu.memref_squeeze %dma_start3A_60 : memref<1x112x64xf32, #tpu.memory_space<vmem>> -> memref<112x64xf32, #tpu.memory_space<vmem>>
    %dma_start3A_62 = arith.constant 448 : i32
    %dma_start3A_63 = tpu.memref_slice %arg6[%dma_start3A_62] : memref<28672xi32, #tpu.memory_space<vmem>> -> memref<112xi32, #tpu.memory_space<vmem>>
    %dma_start3A_64 = arith.constant 0 : i32
    %dma_start3A_65 = arith.constant 0 : i32
    %dma_start3A_66 = tpu.memref_slice %arg4[%dma_start3A_64, %dma_start3A_65] : memref<1000000x64xf32, #tpu.memory_space<hbm>> -> memref<1000000x64xf32, #tpu.memory_space<hbm>>
    %dma_start3A_67 = tpu.memref_slice %arg10[%dma_start3A_57] : memref<4x!tpu.dma_semaphore, #tpu.memory_space<semaphore_mem>> -> memref<1x!tpu.dma_semaphore, #tpu.memory_space<semaphore_mem>>
    %dma_start3A_68 = tpu.memref_squeeze %dma_start3A_67 : memref<1x!tpu.dma_semaphore, #tpu.memory_space<semaphore_mem>> -> memref<!tpu.dma_semaphore, #tpu.memory_space<semaphore_mem>>
    tpu.enqueue_indirect_dma source(%dma_start3A_66 : memref<1000000x64xf32, #tpu.memory_space<hbm>>) target(%dma_start3A_61 : memref<112x64xf32, #tpu.memory_space<vmem>>) offsets(%dma_start3A_63 : memref<112xi32, #tpu.memory_space<vmem>>) semaphore(%dma_start3A_68 : memref<!tpu.dma_semaphore, #tpu.memory_space<semaphore_mem>>)
    %dma_start3A_69 = arith.constant 2 : i32
    %dma_start3A_70 = arith.constant 2 : i32
    %dma_start3A_71 = arith.constant 112 : i32
    %dma_start3A_72 = arith.constant 0 : i32
    %dma_start3A_73 = tpu.memref_slice %arg8[%dma_start3A_69, %dma_start3A_71, %dma_start3A_72] : memref<4x224x64xf32, #tpu.memory_space<vmem>> -> memref<1x112x64xf32, #tpu.memory_space<vmem>>
    %dma_start3A_74 = tpu.memref_squeeze %dma_start3A_73 : memref<1x112x64xf32, #tpu.memory_space<vmem>> -> memref<112x64xf32, #tpu.memory_space<vmem>>
    %dma_start3A_75 = arith.constant 560 : i32
    %dma_start3A_76 = tpu.memref_slice %arg6[%dma_start3A_75] : memref<28672xi32, #tpu.memory_space<vmem>> -> memref<112xi32, #tpu.memory_space<vmem>>
    %dma_start3A_77 = arith.constant 0 : i32
    %dma_start3A_78 = arith.constant 0 : i32
    %dma_start3A_79 = tpu.memref_slice %arg4[%dma_start3A_77, %dma_start3A_78] : memref<1000000x64xf32, #tpu.memory_space<hbm>> -> memref<1000000x64xf32, #tpu.memory_space<hbm>>
    %dma_start3A_80 = tpu.memref_slice %arg10[%dma_start3A_70] : memref<4x!tpu.dma_semaphore, #tpu.memory_space<semaphore_mem>> -> memref<1x!tpu.dma_semaphore, #tpu.memory_space<semaphore_mem>>
    %dma_start3A_81 = tpu.memref_squeeze %dma_start3A_80 : memref<1x!tpu.dma_semaphore, #tpu.memory_space<semaphore_mem>> -> memref<!tpu.dma_semaphore, #tpu.memory_space<semaphore_mem>>
    tpu.enqueue_indirect_dma source(%dma_start3A_79 : memref<1000000x64xf32, #tpu.memory_space<hbm>>) target(%dma_start3A_74 : memref<112x64xf32, #tpu.memory_space<vmem>>) offsets(%dma_start3A_76 : memref<112xi32, #tpu.memory_space<vmem>>) semaphore(%dma_start3A_81 : memref<!tpu.dma_semaphore, #tpu.memory_space<semaphore_mem>>)
    %dma_start3A_82 = arith.constant 3 : i32
    %dma_start3A_83 = arith.constant 3 : i32
    %dma_start3A_84 = arith.constant 0 : i32
    %dma_start3A_85 = arith.constant 0 : i32
    %dma_start3A_86 = tpu.memref_slice %arg8[%dma_start3A_82, %dma_start3A_84, %dma_start3A_85] : memref<4x224x64xf32, #tpu.memory_space<vmem>> -> memref<1x112x64xf32, #tpu.memory_space<vmem>>
    %dma_start3A_87 = tpu.memref_squeeze %dma_start3A_86 : memref<1x112x64xf32, #tpu.memory_space<vmem>> -> memref<112x64xf32, #tpu.memory_space<vmem>>
    %dma_start3A_88 = arith.constant 672 : i32
    %dma_start3A_89 = tpu.memref_slice %arg6[%dma_start3A_88] : memref<28672xi32, #tpu.memory_space<vmem>> -> memref<112xi32, #tpu.memory_space<vmem>>
    %dma_start3A_90 = arith.constant 0 : i32
    %dma_start3A_91 = arith.constant 0 : i32
    %dma_start3A_92 = tpu.memref_slice %arg4[%dma_start3A_90, %dma_start3A_91] : memref<1000000x64xf32, #tpu.memory_space<hbm>> -> memref<1000000x64xf32, #tpu.memory_space<hbm>>
    %dma_start3A_93 = tpu.memref_slice %arg10[%dma_start3A_83] : memref<4x!tpu.dma_semaphore, #tpu.memory_space<semaphore_mem>> -> memref<1x!tpu.dma_semaphore, #tpu.memory_space<semaphore_mem>>
    %dma_start3A_94 = tpu.memref_squeeze %dma_start3A_93 : memref<1x!tpu.dma_semaphore, #tpu.memory_space<semaphore_mem>> -> memref<!tpu.dma_semaphore, #tpu.memory_space<semaphore_mem>>
    tpu.enqueue_indirect_dma source(%dma_start3A_92 : memref<1000000x64xf32, #tpu.memory_space<hbm>>) target(%dma_start3A_87 : memref<112x64xf32, #tpu.memory_space<vmem>>) offsets(%dma_start3A_89 : memref<112xi32, #tpu.memory_space<vmem>>) semaphore(%dma_start3A_94 : memref<!tpu.dma_semaphore, #tpu.memory_space<semaphore_mem>>)
    %dma_start3A_95 = arith.constant 3 : i32
    %dma_start3A_96 = arith.constant 3 : i32
    %dma_start3A_97 = arith.constant 112 : i32
    %dma_start3A_98 = arith.constant 0 : i32
    %dma_start3A_99 = tpu.memref_slice %arg8[%dma_start3A_95, %dma_start3A_97, %dma_start3A_98] : memref<4x224x64xf32, #tpu.memory_space<vmem>> -> memref<1x112x64xf32, #tpu.memory_space<vmem>>
    %dma_start3A_100 = tpu.memref_squeeze %dma_start3A_99 : memref<1x112x64xf32, #tpu.memory_space<vmem>> -> memref<112x64xf32, #tpu.memory_space<vmem>>
    %dma_start3A_101 = arith.constant 784 : i32
    %dma_start3A_102 = tpu.memref_slice %arg6[%dma_start3A_101] : memref<28672xi32, #tpu.memory_space<vmem>> -> memref<112xi32, #tpu.memory_space<vmem>>
    %dma_start3A_103 = arith.constant 0 : i32
    %dma_start3A_104 = arith.constant 0 : i32
    %dma_start3A_105 = tpu.memref_slice %arg4[%dma_start3A_103, %dma_start3A_104] : memref<1000000x64xf32, #tpu.memory_space<hbm>> -> memref<1000000x64xf32, #tpu.memory_space<hbm>>
    %dma_start3A_106 = tpu.memref_slice %arg10[%dma_start3A_96] : memref<4x!tpu.dma_semaphore, #tpu.memory_space<semaphore_mem>> -> memref<1x!tpu.dma_semaphore, #tpu.memory_space<semaphore_mem>>
    %dma_start3A_107 = tpu.memref_squeeze %dma_start3A_106 : memref<1x!tpu.dma_semaphore, #tpu.memory_space<semaphore_mem>> -> memref<!tpu.dma_semaphore, #tpu.memory_space<semaphore_mem>>
    tpu.enqueue_indirect_dma source(%dma_start3A_105 : memref<1000000x64xf32, #tpu.memory_space<hbm>>) target(%dma_start3A_100 : memref<112x64xf32, #tpu.memory_space<vmem>>) offsets(%dma_start3A_102 : memref<112xi32, #tpu.memory_space<vmem>>) semaphore(%dma_start3A_107 : memref<!tpu.dma_semaphore, #tpu.memory_space<semaphore_mem>>)
    %scan3A = arith.constant 0 : i32
    %scan3A_108 = arith.constant 0 : i32
    %scan3A_109 = arith.constant 128 : i32
    %scan3A_110 = arith.addi %scan3A_108, %scan3A_109 : i32
    %scan3A_111 = arith.constant 1 : i32
    %scan3A_112 = scf.for %scan3A_185 = %scan3A_108 to %scan3A_110 step %scan3A_111 iter_args(%scan3A_186 = %scan3A) -> (i32)  : i32 {
      %rem3A = arith.constant 4 : i32
      %rem3A_187 = arith.remsi %scan3A_185, %rem3A : i32
      %ge3A = arith.constant 4 : i32
      %ge3A_188 = arith.cmpi sge, %scan3A_185, %ge3A : i32
      %convert_element_type3A = arith.extui %ge3A_188 : i1 to i32
      %cond3A = arith.constant 0 : i32
      %cond3A_189 = arith.cmpi ne, %convert_element_type3A, %cond3A : i32
      scf.if %cond3A_189 {
        %sub3A = arith.constant 4 : i32
        %sub3A_245 = arith.subi %scan3A_185, %sub3A : i32
        %add3A_246 = arith.addi %mul3A_2, %sub3A_245 : i32
        %dma_wait3A_247 = arith.constant 0 : i32
        %dma_wait3A_248 = tpu.memref_slice %arg9[%rem3A_187, %dma_wait3A_247] : memref<4x224xf32, #tpu.memory_space<vmem>> -> memref<1x224xf32, #tpu.memory_space<vmem>>
        %dma_wait3A_249 = tpu.memref_squeeze %dma_wait3A_248 : memref<1x224xf32, #tpu.memory_space<vmem>> -> memref<224xf32, #tpu.memory_space<vmem>>
        %dma_wait3A_250 = arith.constant 0 : i32
        %dma_wait3A_251 = tpu.memref_slice %arg5[%add3A_246, %dma_wait3A_250] : memref<4096x224xf32, #tpu.memory_space<hbm>> -> memref<1x224xf32, #tpu.memory_space<hbm>>
        %dma_wait3A_252 = tpu.memref_squeeze %dma_wait3A_251 : memref<1x224xf32, #tpu.memory_space<hbm>> -> memref<224xf32, #tpu.memory_space<hbm>>
        %dma_wait3A_253 = tpu.memref_slice %arg11[%rem3A_187] : memref<4x!tpu.dma_semaphore, #tpu.memory_space<semaphore_mem>> -> memref<1x!tpu.dma_semaphore, #tpu.memory_space<semaphore_mem>>
        %dma_wait3A_254 = tpu.memref_squeeze %dma_wait3A_253 : memref<1x!tpu.dma_semaphore, #tpu.memory_space<semaphore_mem>> -> memref<!tpu.dma_semaphore, #tpu.memory_space<semaphore_mem>>
        %dma_wait3A_255 = arith.constant 0 : i32
        %dma_wait3A_256 = tpu.memref_slice %arg5[%add3A_246, %dma_wait3A_255] : memref<4096x224xf32, #tpu.memory_space<hbm>> -> memref<1x224xf32, #tpu.memory_space<hbm>>
        %dma_wait3A_257 = tpu.memref_squeeze %dma_wait3A_256 : memref<1x224xf32, #tpu.memory_space<hbm>> -> memref<224xf32, #tpu.memory_space<hbm>>
        %dma_wait3A_258 = arith.constant 0 : i32
        %dma_wait3A_259 = tpu.memref_slice %arg9[%rem3A_187, %dma_wait3A_258] : memref<4x224xf32, #tpu.memory_space<vmem>> -> memref<1x224xf32, #tpu.memory_space<vmem>>
        %dma_wait3A_260 = tpu.memref_squeeze %dma_wait3A_259 : memref<1x224xf32, #tpu.memory_space<vmem>> -> memref<224xf32, #tpu.memory_space<vmem>>
        tpu.wait_dma2 semaphore(%dma_wait3A_254 : memref<!tpu.dma_semaphore, #tpu.memory_space<semaphore_mem>>) src(%dma_wait3A_260 : memref<224xf32, #tpu.memory_space<vmem>>) dst(%dma_wait3A_257 : memref<224xf32, #tpu.memory_space<hbm>>)
      } else {
      }
      %mul3A_190 = arith.constant 224 : i32
      %mul3A_191 = arith.muli %scan3A_185, %mul3A_190 : i32
      %add3A_192 = arith.constant 0 : i32
      %add3A_193 = arith.addi %mul3A_191, %add3A_192 : i32
      %dma_wait3A_194 = arith.constant 0 : i32
      %dma_wait3A_195 = arith.constant 0 : i32
      %dma_wait3A_196 = tpu.memref_slice %arg8[%rem3A_187, %dma_wait3A_194, %dma_wait3A_195] : memref<4x224x64xf32, #tpu.memory_space<vmem>> -> memref<1x112x64xf32, #tpu.memory_space<vmem>>
      %dma_wait3A_197 = tpu.memref_squeeze %dma_wait3A_196 : memref<1x112x64xf32, #tpu.memory_space<vmem>> -> memref<112x64xf32, #tpu.memory_space<vmem>>
      %dma_wait3A_198 = tpu.memref_slice %arg6[%add3A_193] : memref<28672xi32, #tpu.memory_space<vmem>> -> memref<112xi32, #tpu.memory_space<vmem>>
      %dma_wait3A_199 = arith.constant 0 : i32
      %dma_wait3A_200 = arith.constant 0 : i32
      %dma_wait3A_201 = tpu.memref_slice %arg4[%dma_wait3A_199, %dma_wait3A_200] : memref<1000000x64xf32, #tpu.memory_space<hbm>> -> memref<1000000x64xf32, #tpu.memory_space<hbm>>
      %dma_wait3A_202 = tpu.memref_slice %arg10[%rem3A_187] : memref<4x!tpu.dma_semaphore, #tpu.memory_space<semaphore_mem>> -> memref<1x!tpu.dma_semaphore, #tpu.memory_space<semaphore_mem>>
      %dma_wait3A_203 = tpu.memref_squeeze %dma_wait3A_202 : memref<1x!tpu.dma_semaphore, #tpu.memory_space<semaphore_mem>> -> memref<!tpu.dma_semaphore, #tpu.memory_space<semaphore_mem>>
      tpu.wait_indirect_dma semaphore(%dma_wait3A_203 : memref<!tpu.dma_semaphore, #tpu.memory_space<semaphore_mem>>) src(%dma_wait3A_201 : memref<1000000x64xf32, #tpu.memory_space<hbm>>) dst(%dma_wait3A_197 : memref<112x64xf32, #tpu.memory_space<vmem>>)
      %mul3A_204 = arith.constant 224 : i32
      %mul3A_205 = arith.muli %scan3A_185, %mul3A_204 : i32
      %add3A_206 = arith.constant 112 : i32
      %add3A_207 = arith.addi %mul3A_205, %add3A_206 : i32
      %dma_wait3A_208 = arith.constant 112 : i32
      %dma_wait3A_209 = arith.constant 0 : i32
      %dma_wait3A_210 = tpu.memref_slice %arg8[%rem3A_187, %dma_wait3A_208, %dma_wait3A_209] : memref<4x224x64xf32, #tpu.memory_space<vmem>> -> memref<1x112x64xf32, #tpu.memory_space<vmem>>
      %dma_wait3A_211 = tpu.memref_squeeze %dma_wait3A_210 : memref<1x112x64xf32, #tpu.memory_space<vmem>> -> memref<112x64xf32, #tpu.memory_space<vmem>>
      %dma_wait3A_212 = tpu.memref_slice %arg6[%add3A_207] : memref<28672xi32, #tpu.memory_space<vmem>> -> memref<112xi32, #tpu.memory_space<vmem>>
      %dma_wait3A_213 = arith.constant 0 : i32
      %dma_wait3A_214 = arith.constant 0 : i32
      %dma_wait3A_215 = tpu.memref_slice %arg4[%dma_wait3A_213, %dma_wait3A_214] : memref<1000000x64xf32, #tpu.memory_space<hbm>> -> memref<1000000x64xf32, #tpu.memory_space<hbm>>
      %dma_wait3A_216 = tpu.memref_slice %arg10[%rem3A_187] : memref<4x!tpu.dma_semaphore, #tpu.memory_space<semaphore_mem>> -> memref<1x!tpu.dma_semaphore, #tpu.memory_space<semaphore_mem>>
      %dma_wait3A_217 = tpu.memref_squeeze %dma_wait3A_216 : memref<1x!tpu.dma_semaphore, #tpu.memory_space<semaphore_mem>> -> memref<!tpu.dma_semaphore, #tpu.memory_space<semaphore_mem>>
      tpu.wait_indirect_dma semaphore(%dma_wait3A_217 : memref<!tpu.dma_semaphore, #tpu.memory_space<semaphore_mem>>) src(%dma_wait3A_215 : memref<1000000x64xf32, #tpu.memory_space<hbm>>) dst(%dma_wait3A_211 : memref<112x64xf32, #tpu.memory_space<vmem>>)
      %lt3A = arith.constant 124 : i32
      %lt3A_218 = arith.cmpi slt, %scan3A_185, %lt3A : i32
      %convert_element_type3A_219 = arith.extui %lt3A_218 : i1 to i32
      %cond3A_220 = arith.constant 0 : i32
      %cond3A_221 = arith.cmpi ne, %convert_element_type3A_219, %cond3A_220 : i32
      scf.if %cond3A_221 {
        %add3A_245 = arith.constant 4 : i32
        %add3A_246 = arith.addi %scan3A_185, %add3A_245 : i32
        %mul3A_247 = arith.constant 224 : i32
        %mul3A_248 = arith.muli %add3A_246, %mul3A_247 : i32
        %add3A_249 = arith.constant 0 : i32
        %add3A_250 = arith.addi %mul3A_248, %add3A_249 : i32
        %dma_start3A_251 = arith.constant 0 : i32
        %dma_start3A_252 = arith.constant 0 : i32
        %dma_start3A_253 = tpu.memref_slice %arg8[%rem3A_187, %dma_start3A_251, %dma_start3A_252] : memref<4x224x64xf32, #tpu.memory_space<vmem>> -> memref<1x112x64xf32, #tpu.memory_space<vmem>>
        %dma_start3A_254 = tpu.memref_squeeze %dma_start3A_253 : memref<1x112x64xf32, #tpu.memory_space<vmem>> -> memref<112x64xf32, #tpu.memory_space<vmem>>
        %dma_start3A_255 = tpu.memref_slice %arg6[%add3A_250] : memref<28672xi32, #tpu.memory_space<vmem>> -> memref<112xi32, #tpu.memory_space<vmem>>
        %dma_start3A_256 = arith.constant 0 : i32
        %dma_start3A_257 = arith.constant 0 : i32
        %dma_start3A_258 = tpu.memref_slice %arg4[%dma_start3A_256, %dma_start3A_257] : memref<1000000x64xf32, #tpu.memory_space<hbm>> -> memref<1000000x64xf32, #tpu.memory_space<hbm>>
        %dma_start3A_259 = tpu.memref_slice %arg10[%rem3A_187] : memref<4x!tpu.dma_semaphore, #tpu.memory_space<semaphore_mem>> -> memref<1x!tpu.dma_semaphore, #tpu.memory_space<semaphore_mem>>
        %dma_start3A_260 = tpu.memref_squeeze %dma_start3A_259 : memref<1x!tpu.dma_semaphore, #tpu.memory_space<semaphore_mem>> -> memref<!tpu.dma_semaphore, #tpu.memory_space<semaphore_mem>>
        tpu.enqueue_indirect_dma source(%dma_start3A_258 : memref<1000000x64xf32, #tpu.memory_space<hbm>>) target(%dma_start3A_254 : memref<112x64xf32, #tpu.memory_space<vmem>>) offsets(%dma_start3A_255 : memref<112xi32, #tpu.memory_space<vmem>>) semaphore(%dma_start3A_260 : memref<!tpu.dma_semaphore, #tpu.memory_space<semaphore_mem>>)
        %mul3A_261 = arith.constant 224 : i32
        %mul3A_262 = arith.muli %add3A_246, %mul3A_261 : i32
        %add3A_263 = arith.constant 112 : i32
        %add3A_264 = arith.addi %mul3A_262, %add3A_263 : i32
        %dma_start3A_265 = arith.constant 112 : i32
        %dma_start3A_266 = arith.constant 0 : i32
        %dma_start3A_267 = tpu.memref_slice %arg8[%rem3A_187, %dma_start3A_265, %dma_start3A_266] : memref<4x224x64xf32, #tpu.memory_space<vmem>> -> memref<1x112x64xf32, #tpu.memory_space<vmem>>
        %dma_start3A_268 = tpu.memref_squeeze %dma_start3A_267 : memref<1x112x64xf32, #tpu.memory_space<vmem>> -> memref<112x64xf32, #tpu.memory_space<vmem>>
        %dma_start3A_269 = tpu.memref_slice %arg6[%add3A_264] : memref<28672xi32, #tpu.memory_space<vmem>> -> memref<112xi32, #tpu.memory_space<vmem>>
        %dma_start3A_270 = arith.constant 0 : i32
        %dma_start3A_271 = arith.constant 0 : i32
        %dma_start3A_272 = tpu.memref_slice %arg4[%dma_start3A_270, %dma_start3A_271] : memref<1000000x64xf32, #tpu.memory_space<hbm>> -> memref<1000000x64xf32, #tpu.memory_space<hbm>>
        %dma_start3A_273 = tpu.memref_slice %arg10[%rem3A_187] : memref<4x!tpu.dma_semaphore, #tpu.memory_space<semaphore_mem>> -> memref<1x!tpu.dma_semaphore, #tpu.memory_space<semaphore_mem>>
        %dma_start3A_274 = tpu.memref_squeeze %dma_start3A_273 : memref<1x!tpu.dma_semaphore, #tpu.memory_space<semaphore_mem>> -> memref<!tpu.dma_semaphore, #tpu.memory_space<semaphore_mem>>
        tpu.enqueue_indirect_dma source(%dma_start3A_272 : memref<1000000x64xf32, #tpu.memory_space<hbm>>) target(%dma_start3A_268 : memref<112x64xf32, #tpu.memory_space<vmem>>) offsets(%dma_start3A_269 : memref<112xi32, #tpu.memory_space<vmem>>) semaphore(%dma_start3A_274 : memref<!tpu.dma_semaphore, #tpu.memory_space<semaphore_mem>>)
      } else {
      }
      %scan3A_222 = arith.constant 0 : i32
      %scan3A_223 = arith.constant 0 : i32
      %scan3A_224 = arith.constant 14 : i32
      %scan3A_225 = arith.addi %scan3A_223, %scan3A_224 : i32
      %scan3A_226 = arith.constant 1 : i32
      %scan3A_227 = scf.for %scan3A_245 = %scan3A_223 to %scan3A_225 step %scan3A_226 iter_args(%scan3A_246 = %scan3A_222) -> (i32)  : i32 {
        %mul3A_247 = arith.constant 16 : i32
        %mul3A_248 = arith.muli %scan3A_245, %mul3A_247 : i32
        %add3A_249 = vector.broadcast %mul3A_248 : i32 to vector<16xi32>
        %add3A_250 = arith.addi %add3A_249, %iota3A : vector<16xi32>
        %broadcast_in_dim3A = arith.constant 0.000000e+00 : f32
        %broadcast_in_dim3A_251 = vector.broadcast %broadcast_in_dim3A : f32 to vector<16xf32>
        %scan3A_252 = arith.constant 0 : i32
        %scan3A_253 = arith.constant 4 : i32
        %scan3A_254 = arith.addi %scan3A_252, %scan3A_253 : i32
        %scan3A_255 = arith.constant 1 : i32
        %scan3A_256 = scf.for %scan3A_265 = %scan3A_252 to %scan3A_254 step %scan3A_255 iter_args(%scan3A_266 = %broadcast_in_dim3A_251) -> (vector<16xf32>)  : i32 {
          %mul3A_267 = arith.constant 16 : i32
          %mul3A_268 = arith.muli %scan3A_265, %mul3A_267 : i32
          %get3A = arith.index_cast %scan3A_185 : i32 to index
          %get3A_269 = arith.index_cast %mul3A_268 : i32 to index
          %get3A_270 = tpu.vector_load %arg7[%get3A, %get3A_269] {strides = array<i32>} : memref<128x64xf32, #tpu.memory_space<vmem>>, vector<16xf32>,
          %mul3A_271 = arith.constant 16 : i32
          %mul3A_272 = arith.muli %scan3A_265, %mul3A_271 : i32
          %broadcast_in_dim3A_273 = arith.constant 0 : i32
          %broadcast_in_dim3A_274 = vector.broadcast %broadcast_in_dim3A_273 : i32 to vector<16xi32>
          %add3A_275 = vector.broadcast %mul3A_272 : i32 to vector<16xi32>
          %add3A_276 = arith.addi %broadcast_in_dim3A_274, %add3A_275 : vector<16xi32>
          %gather3A = arith.constant 0 : i32
          %gather3A_277 = arith.constant 0 : i32
          %gather3A_278 = tpu.memref_slice %arg8[%rem3A_187, %gather3A, %gather3A_277] : memref<4x224x64xf32, #tpu.memory_space<vmem>> -> memref<1x224x64xf32, #tpu.memory_space<vmem>>
          %gather3A_279 = tpu.memref_squeeze %gather3A_278 : memref<1x224x64xf32, #tpu.memory_space<vmem>> -> memref<224x64xf32, #tpu.memory_space<vmem>>
          %gather3A_280 = tpu.vector_load_idx %gather3A_279[%add3A_250, %add3A_276] : memref<224x64xf32, #tpu.memory_space<vmem>>[vector<16xi32>, vector<16xi32>], vector<16xf32>,
          %slice3A = vector.extract_strided_slice %get3A_270 {offsets = [0], sizes = [1], strides = [1]} : vector<16xf32> to vector<1xf32>
          %squeeze3A = vector.extract %slice3A[0] : f32 from vector<1xf32>
          %mul3A_281 = vector.broadcast %squeeze3A : f32 to vector<16xf32>
          %mul3A_282 = arith.mulf %gather3A_280, %mul3A_281 : vector<16xf32>
          %add3A_283 = arith.addf %scan3A_266, %mul3A_282 : vector<16xf32>
          %broadcast_in_dim3A_284 = arith.constant 1 : i32
          %broadcast_in_dim3A_285 = vector.broadcast %broadcast_in_dim3A_284 : i32 to vector<16xi32>
          %add3A_286 = vector.broadcast %mul3A_272 : i32 to vector<16xi32>
          %add3A_287 = arith.addi %broadcast_in_dim3A_285, %add3A_286 : vector<16xi32>
          %gather3A_288 = arith.constant 0 : i32
          %gather3A_289 = arith.constant 0 : i32
          %gather3A_290 = tpu.memref_slice %arg8[%rem3A_187, %gather3A_288, %gather3A_289] : memref<4x224x64xf32, #tpu.memory_space<vmem>> -> memref<1x224x64xf32, #tpu.memory_space<vmem>>
          %gather3A_291 = tpu.memref_squeeze %gather3A_290 : memref<1x224x64xf32, #tpu.memory_space<vmem>> -> memref<224x64xf32, #tpu.memory_space<vmem>>
          %gather3A_292 = tpu.vector_load_idx %gather3A_291[%add3A_250, %add3A_287] : memref<224x64xf32, #tpu.memory_space<vmem>>[vector<16xi32>, vector<16xi32>], vector<16xf32>,
          %slice3A_293 = vector.extract_strided_slice %get3A_270 {offsets = [1], sizes = [1], strides = [1]} : vector<16xf32> to vector<1xf32>
          %squeeze3A_294 = vector.extract %slice3A_293[0] : f32 from vector<1xf32>
          %mul3A_295 = vector.broadcast %squeeze3A_294 : f32 to vector<16xf32>
          %mul3A_296 = arith.mulf %gather3A_292, %mul3A_295 : vector<16xf32>
          %add3A_297 = arith.addf %add3A_283, %mul3A_296 : vector<16xf32>
          %broadcast_in_dim3A_298 = arith.constant 2 : i32
          %broadcast_in_dim3A_299 = vector.broadcast %broadcast_in_dim3A_298 : i32 to vector<16xi32>
          %add3A_300 = vector.broadcast %mul3A_272 : i32 to vector<16xi32>
          %add3A_301 = arith.addi %broadcast_in_dim3A_299, %add3A_300 : vector<16xi32>
          %gather3A_302 = arith.constant 0 : i32
          %gather3A_303 = arith.constant 0 : i32
          %gather3A_304 = tpu.memref_slice %arg8[%rem3A_187, %gather3A_302, %gather3A_303] : memref<4x224x64xf32, #tpu.memory_space<vmem>> -> memref<1x224x64xf32, #tpu.memory_space<vmem>>
          %gather3A_305 = tpu.memref_squeeze %gather3A_304 : memref<1x224x64xf32, #tpu.memory_space<vmem>> -> memref<224x64xf32, #tpu.memory_space<vmem>>
          %gather3A_306 = tpu.vector_load_idx %gather3A_305[%add3A_250, %add3A_301] : memref<224x64xf32, #tpu.memory_space<vmem>>[vector<16xi32>, vector<16xi32>], vector<16xf32>,
          %slice3A_307 = vector.extract_strided_slice %get3A_270 {offsets = [2], sizes = [1], strides = [1]} : vector<16xf32> to vector<1xf32>
          %squeeze3A_308 = vector.extract %slice3A_307[0] : f32 from vector<1xf32>
          %mul3A_309 = vector.broadcast %squeeze3A_308 : f32 to vector<16xf32>
          %mul3A_310 = arith.mulf %gather3A_306, %mul3A_309 : vector<16xf32>
          %add3A_311 = arith.addf %add3A_297, %mul3A_310 : vector<16xf32>
          %broadcast_in_dim3A_312 = arith.constant 3 : i32
          %broadcast_in_dim3A_313 = vector.broadcast %broadcast_in_dim3A_312 : i32 to vector<16xi32>
          %add3A_314 = vector.broadcast %mul3A_272 : i32 to vector<16xi32>
          %add3A_315 = arith.addi %broadcast_in_dim3A_313, %add3A_314 : vector<16xi32>
          %gather3A_316 = arith.constant 0 : i32
          %gather3A_317 = arith.constant 0 : i32
          %gather3A_318 = tpu.memref_slice %arg8[%rem3A_187, %gather3A_316, %gather3A_317] : memref<4x224x64xf32, #tpu.memory_space<vmem>> -> memref<1x224x64xf32, #tpu.memory_space<vmem>>
          %gather3A_319 = tpu.memref_squeeze %gather3A_318 : memref<1x224x64xf32, #tpu.memory_space<vmem>> -> memref<224x64xf32, #tpu.memory_space<vmem>>
          %gather3A_320 = tpu.vector_load_idx %gather3A_319[%add3A_250, %add3A_315] : memref<224x64xf32, #tpu.memory_space<vmem>>[vector<16xi32>, vector<16xi32>], vector<16xf32>,
          %slice3A_321 = vector.extract_strided_slice %get3A_270 {offsets = [3], sizes = [1], strides = [1]} : vector<16xf32> to vector<1xf32>
          %squeeze3A_322 = vector.extract %slice3A_321[0] : f32 from vector<1xf32>
          %mul3A_323 = vector.broadcast %squeeze3A_322 : f32 to vector<16xf32>
          %mul3A_324 = arith.mulf %gather3A_320, %mul3A_323 : vector<16xf32>
          %add3A_325 = arith.addf %add3A_311, %mul3A_324 : vector<16xf32>
          %broadcast_in_dim3A_326 = arith.constant 4 : i32
          %broadcast_in_dim3A_327 = vector.broadcast %broadcast_in_dim3A_326 : i32 to vector<16xi32>
          %add3A_328 = vector.broadcast %mul3A_272 : i32 to vector<16xi32>
          %add3A_329 = arith.addi %broadcast_in_dim3A_327, %add3A_328 : vector<16xi32>
          %gather3A_330 = arith.constant 0 : i32
          %gather3A_331 = arith.constant 0 : i32
          %gather3A_332 = tpu.memref_slice %arg8[%rem3A_187, %gather3A_330, %gather3A_331] : memref<4x224x64xf32, #tpu.memory_space<vmem>> -> memref<1x224x64xf32, #tpu.memory_space<vmem>>
          %gather3A_333 = tpu.memref_squeeze %gather3A_332 : memref<1x224x64xf32, #tpu.memory_space<vmem>> -> memref<224x64xf32, #tpu.memory_space<vmem>>
          %gather3A_334 = tpu.vector_load_idx %gather3A_333[%add3A_250, %add3A_329] : memref<224x64xf32, #tpu.memory_space<vmem>>[vector<16xi32>, vector<16xi32>], vector<16xf32>,
          %slice3A_335 = vector.extract_strided_slice %get3A_270 {offsets = [4], sizes = [1], strides = [1]} : vector<16xf32> to vector<1xf32>
          %squeeze3A_336 = vector.extract %slice3A_335[0] : f32 from vector<1xf32>
          %mul3A_337 = vector.broadcast %squeeze3A_336 : f32 to vector<16xf32>
          %mul3A_338 = arith.mulf %gather3A_334, %mul3A_337 : vector<16xf32>
          %add3A_339 = arith.addf %add3A_325, %mul3A_338 : vector<16xf32>
          %broadcast_in_dim3A_340 = arith.constant 5 : i32
          %broadcast_in_dim3A_341 = vector.broadcast %broadcast_in_dim3A_340 : i32 to vector<16xi32>
          %add3A_342 = vector.broadcast %mul3A_272 : i32 to vector<16xi32>
          %add3A_343 = arith.addi %broadcast_in_dim3A_341, %add3A_342 : vector<16xi32>
          %gather3A_344 = arith.constant 0 : i32
          %gather3A_345 = arith.constant 0 : i32
          %gather3A_346 = tpu.memref_slice %arg8[%rem3A_187, %gather3A_344, %gather3A_345] : memref<4x224x64xf32, #tpu.memory_space<vmem>> -> memref<1x224x64xf32, #tpu.memory_space<vmem>>
          %gather3A_347 = tpu.memref_squeeze %gather3A_346 : memref<1x224x64xf32, #tpu.memory_space<vmem>> -> memref<224x64xf32, #tpu.memory_space<vmem>>
          %gather3A_348 = tpu.vector_load_idx %gather3A_347[%add3A_250, %add3A_343] : memref<224x64xf32, #tpu.memory_space<vmem>>[vector<16xi32>, vector<16xi32>], vector<16xf32>,
          %slice3A_349 = vector.extract_strided_slice %get3A_270 {offsets = [5], sizes = [1], strides = [1]} : vector<16xf32> to vector<1xf32>
          %squeeze3A_350 = vector.extract %slice3A_349[0] : f32 from vector<1xf32>
          %mul3A_351 = vector.broadcast %squeeze3A_350 : f32 to vector<16xf32>
          %mul3A_352 = arith.mulf %gather3A_348, %mul3A_351 : vector<16xf32>
          %add3A_353 = arith.addf %add3A_339, %mul3A_352 : vector<16xf32>
          %broadcast_in_dim3A_354 = arith.constant 6 : i32
          %broadcast_in_dim3A_355 = vector.broadcast %broadcast_in_dim3A_354 : i32 to vector<16xi32>
          %add3A_356 = vector.broadcast %mul3A_272 : i32 to vector<16xi32>
          %add3A_357 = arith.addi %broadcast_in_dim3A_355, %add3A_356 : vector<16xi32>
          %gather3A_358 = arith.constant 0 : i32
          %gather3A_359 = arith.constant 0 : i32
          %gather3A_360 = tpu.memref_slice %arg8[%rem3A_187, %gather3A_358, %gather3A_359] : memref<4x224x64xf32, #tpu.memory_space<vmem>> -> memref<1x224x64xf32, #tpu.memory_space<vmem>>
          %gather3A_361 = tpu.memref_squeeze %gather3A_360 : memref<1x224x64xf32, #tpu.memory_space<vmem>> -> memref<224x64xf32, #tpu.memory_space<vmem>>
          %gather3A_362 = tpu.vector_load_idx %gather3A_361[%add3A_250, %add3A_357] : memref<224x64xf32, #tpu.memory_space<vmem>>[vector<16xi32>, vector<16xi32>], vector<16xf32>,
          %slice3A_363 = vector.extract_strided_slice %get3A_270 {offsets = [6], sizes = [1], strides = [1]} : vector<16xf32> to vector<1xf32>
          %squeeze3A_364 = vector.extract %slice3A_363[0] : f32 from vector<1xf32>
          %mul3A_365 = vector.broadcast %squeeze3A_364 : f32 to vector<16xf32>
          %mul3A_366 = arith.mulf %gather3A_362, %mul3A_365 : vector<16xf32>
          %add3A_367 = arith.addf %add3A_353, %mul3A_366 : vector<16xf32>
          %broadcast_in_dim3A_368 = arith.constant 7 : i32
          %broadcast_in_dim3A_369 = vector.broadcast %broadcast_in_dim3A_368 : i32 to vector<16xi32>
          %add3A_370 = vector.broadcast %mul3A_272 : i32 to vector<16xi32>
          %add3A_371 = arith.addi %broadcast_in_dim3A_369, %add3A_370 : vector<16xi32>
          %gather3A_372 = arith.constant 0 : i32
          %gather3A_373 = arith.constant 0 : i32
          %gather3A_374 = tpu.memref_slice %arg8[%rem3A_187, %gather3A_372, %gather3A_373] : memref<4x224x64xf32, #tpu.memory_space<vmem>> -> memref<1x224x64xf32, #tpu.memory_space<vmem>>
          %gather3A_375 = tpu.memref_squeeze %gather3A_374 : memref<1x224x64xf32, #tpu.memory_space<vmem>> -> memref<224x64xf32, #tpu.memory_space<vmem>>
          %gather3A_376 = tpu.vector_load_idx %gather3A_375[%add3A_250, %add3A_371] : memref<224x64xf32, #tpu.memory_space<vmem>>[vector<16xi32>, vector<16xi32>], vector<16xf32>,
          %slice3A_377 = vector.extract_strided_slice %get3A_270 {offsets = [7], sizes = [1], strides = [1]} : vector<16xf32> to vector<1xf32>
          %squeeze3A_378 = vector.extract %slice3A_377[0] : f32 from vector<1xf32>
          %mul3A_379 = vector.broadcast %squeeze3A_378 : f32 to vector<16xf32>
          %mul3A_380 = arith.mulf %gather3A_376, %mul3A_379 : vector<16xf32>
          %add3A_381 = arith.addf %add3A_367, %mul3A_380 : vector<16xf32>
          %broadcast_in_dim3A_382 = arith.constant 8 : i32
          %broadcast_in_dim3A_383 = vector.broadcast %broadcast_in_dim3A_382 : i32 to vector<16xi32>
          %add3A_384 = vector.broadcast %mul3A_272 : i32 to vector<16xi32>
          %add3A_385 = arith.addi %broadcast_in_dim3A_383, %add3A_384 : vector<16xi32>
          %gather3A_386 = arith.constant 0 : i32
          %gather3A_387 = arith.constant 0 : i32
          %gather3A_388 = tpu.memref_slice %arg8[%rem3A_187, %gather3A_386, %gather3A_387] : memref<4x224x64xf32, #tpu.memory_space<vmem>> -> memref<1x224x64xf32, #tpu.memory_space<vmem>>
          %gather3A_389 = tpu.memref_squeeze %gather3A_388 : memref<1x224x64xf32, #tpu.memory_space<vmem>> -> memref<224x64xf32, #tpu.memory_space<vmem>>
          %gather3A_390 = tpu.vector_load_idx %gather3A_389[%add3A_250, %add3A_385] : memref<224x64xf32, #tpu.memory_space<vmem>>[vector<16xi32>, vector<16xi32>], vector<16xf32>,
          %slice3A_391 = vector.extract_strided_slice %get3A_270 {offsets = [8], sizes = [1], strides = [1]} : vector<16xf32> to vector<1xf32>
          %squeeze3A_392 = vector.extract %slice3A_391[0] : f32 from vector<1xf32>
          %mul3A_393 = vector.broadcast %squeeze3A_392 : f32 to vector<16xf32>
          %mul3A_394 = arith.mulf %gather3A_390, %mul3A_393 : vector<16xf32>
          %add3A_395 = arith.addf %add3A_381, %mul3A_394 : vector<16xf32>
          %broadcast_in_dim3A_396 = arith.constant 9 : i32
          %broadcast_in_dim3A_397 = vector.broadcast %broadcast_in_dim3A_396 : i32 to vector<16xi32>
          %add3A_398 = vector.broadcast %mul3A_272 : i32 to vector<16xi32>
          %add3A_399 = arith.addi %broadcast_in_dim3A_397, %add3A_398 : vector<16xi32>
          %gather3A_400 = arith.constant 0 : i32
          %gather3A_401 = arith.constant 0 : i32
          %gather3A_402 = tpu.memref_slice %arg8[%rem3A_187, %gather3A_400, %gather3A_401] : memref<4x224x64xf32, #tpu.memory_space<vmem>> -> memref<1x224x64xf32, #tpu.memory_space<vmem>>
          %gather3A_403 = tpu.memref_squeeze %gather3A_402 : memref<1x224x64xf32, #tpu.memory_space<vmem>> -> memref<224x64xf32, #tpu.memory_space<vmem>>
          %gather3A_404 = tpu.vector_load_idx %gather3A_403[%add3A_250, %add3A_399] : memref<224x64xf32, #tpu.memory_space<vmem>>[vector<16xi32>, vector<16xi32>], vector<16xf32>,
          %slice3A_405 = vector.extract_strided_slice %get3A_270 {offsets = [9], sizes = [1], strides = [1]} : vector<16xf32> to vector<1xf32>
          %squeeze3A_406 = vector.extract %slice3A_405[0] : f32 from vector<1xf32>
          %mul3A_407 = vector.broadcast %squeeze3A_406 : f32 to vector<16xf32>
          %mul3A_408 = arith.mulf %gather3A_404, %mul3A_407 : vector<16xf32>
          %add3A_409 = arith.addf %add3A_395, %mul3A_408 : vector<16xf32>
          %broadcast_in_dim3A_410 = arith.constant 10 : i32
          %broadcast_in_dim3A_411 = vector.broadcast %broadcast_in_dim3A_410 : i32 to vector<16xi32>
          %add3A_412 = vector.broadcast %mul3A_272 : i32 to vector<16xi32>
          %add3A_413 = arith.addi %broadcast_in_dim3A_411, %add3A_412 : vector<16xi32>
          %gather3A_414 = arith.constant 0 : i32
          %gather3A_415 = arith.constant 0 : i32
          %gather3A_416 = tpu.memref_slice %arg8[%rem3A_187, %gather3A_414, %gather3A_415] : memref<4x224x64xf32, #tpu.memory_space<vmem>> -> memref<1x224x64xf32, #tpu.memory_space<vmem>>
          %gather3A_417 = tpu.memref_squeeze %gather3A_416 : memref<1x224x64xf32, #tpu.memory_space<vmem>> -> memref<224x64xf32, #tpu.memory_space<vmem>>
          %gather3A_418 = tpu.vector_load_idx %gather3A_417[%add3A_250, %add3A_413] : memref<224x64xf32, #tpu.memory_space<vmem>>[vector<16xi32>, vector<16xi32>], vector<16xf32>,
          %slice3A_419 = vector.extract_strided_slice %get3A_270 {offsets = [10], sizes = [1], strides = [1]} : vector<16xf32> to vector<1xf32>
          %squeeze3A_420 = vector.extract %slice3A_419[0] : f32 from vector<1xf32>
          %mul3A_421 = vector.broadcast %squeeze3A_420 : f32 to vector<16xf32>
          %mul3A_422 = arith.mulf %gather3A_418, %mul3A_421 : vector<16xf32>
          %add3A_423 = arith.addf %add3A_409, %mul3A_422 : vector<16xf32>
          %broadcast_in_dim3A_424 = arith.constant 11 : i32
          %broadcast_in_dim3A_425 = vector.broadcast %broadcast_in_dim3A_424 : i32 to vector<16xi32>
          %add3A_426 = vector.broadcast %mul3A_272 : i32 to vector<16xi32>
          %add3A_427 = arith.addi %broadcast_in_dim3A_425, %add3A_426 : vector<16xi32>
          %gather3A_428 = arith.constant 0 : i32
          %gather3A_429 = arith.constant 0 : i32
          %gather3A_430 = tpu.memref_slice %arg8[%rem3A_187, %gather3A_428, %gather3A_429] : memref<4x224x64xf32, #tpu.memory_space<vmem>> -> memref<1x224x64xf32, #tpu.memory_space<vmem>>
          %gather3A_431 = tpu.memref_squeeze %gather3A_430 : memref<1x224x64xf32, #tpu.memory_space<vmem>> -> memref<224x64xf32, #tpu.memory_space<vmem>>
          %gather3A_432 = tpu.vector_load_idx %gather3A_431[%add3A_250, %add3A_427] : memref<224x64xf32, #tpu.memory_space<vmem>>[vector<16xi32>, vector<16xi32>], vector<16xf32>,
          %slice3A_433 = vector.extract_strided_slice %get3A_270 {offsets = [11], sizes = [1], strides = [1]} : vector<16xf32> to vector<1xf32>
          %squeeze3A_434 = vector.extract %slice3A_433[0] : f32 from vector<1xf32>
          %mul3A_435 = vector.broadcast %squeeze3A_434 : f32 to vector<16xf32>
          %mul3A_436 = arith.mulf %gather3A_432, %mul3A_435 : vector<16xf32>
          %add3A_437 = arith.addf %add3A_423, %mul3A_436 : vector<16xf32>
          %broadcast_in_dim3A_438 = arith.constant 12 : i32
          %broadcast_in_dim3A_439 = vector.broadcast %broadcast_in_dim3A_438 : i32 to vector<16xi32>
          %add3A_440 = vector.broadcast %mul3A_272 : i32 to vector<16xi32>
          %add3A_441 = arith.addi %broadcast_in_dim3A_439, %add3A_440 : vector<16xi32>
          %gather3A_442 = arith.constant 0 : i32
          %gather3A_443 = arith.constant 0 : i32
          %gather3A_444 = tpu.memref_slice %arg8[%rem3A_187, %gather3A_442, %gather3A_443] : memref<4x224x64xf32, #tpu.memory_space<vmem>> -> memref<1x224x64xf32, #tpu.memory_space<vmem>>
          %gather3A_445 = tpu.memref_squeeze %gather3A_444 : memref<1x224x64xf32, #tpu.memory_space<vmem>> -> memref<224x64xf32, #tpu.memory_space<vmem>>
          %gather3A_446 = tpu.vector_load_idx %gather3A_445[%add3A_250, %add3A_441] : memref<224x64xf32, #tpu.memory_space<vmem>>[vector<16xi32>, vector<16xi32>], vector<16xf32>,
          %slice3A_447 = vector.extract_strided_slice %get3A_270 {offsets = [12], sizes = [1], strides = [1]} : vector<16xf32> to vector<1xf32>
          %squeeze3A_448 = vector.extract %slice3A_447[0] : f32 from vector<1xf32>
          %mul3A_449 = vector.broadcast %squeeze3A_448 : f32 to vector<16xf32>
          %mul3A_450 = arith.mulf %gather3A_446, %mul3A_449 : vector<16xf32>
          %add3A_451 = arith.addf %add3A_437, %mul3A_450 : vector<16xf32>
          %broadcast_in_dim3A_452 = arith.constant 13 : i32
          %broadcast_in_dim3A_453 = vector.broadcast %broadcast_in_dim3A_452 : i32 to vector<16xi32>
          %add3A_454 = vector.broadcast %mul3A_272 : i32 to vector<16xi32>
          %add3A_455 = arith.addi %broadcast_in_dim3A_453, %add3A_454 : vector<16xi32>
          %gather3A_456 = arith.constant 0 : i32
          %gather3A_457 = arith.constant 0 : i32
          %gather3A_458 = tpu.memref_slice %arg8[%rem3A_187, %gather3A_456, %gather3A_457] : memref<4x224x64xf32, #tpu.memory_space<vmem>> -> memref<1x224x64xf32, #tpu.memory_space<vmem>>
          %gather3A_459 = tpu.memref_squeeze %gather3A_458 : memref<1x224x64xf32, #tpu.memory_space<vmem>> -> memref<224x64xf32, #tpu.memory_space<vmem>>
          %gather3A_460 = tpu.vector_load_idx %gather3A_459[%add3A_250, %add3A_455] : memref<224x64xf32, #tpu.memory_space<vmem>>[vector<16xi32>, vector<16xi32>], vector<16xf32>,
          %slice3A_461 = vector.extract_strided_slice %get3A_270 {offsets = [13], sizes = [1], strides = [1]} : vector<16xf32> to vector<1xf32>
          %squeeze3A_462 = vector.extract %slice3A_461[0] : f32 from vector<1xf32>
          %mul3A_463 = vector.broadcast %squeeze3A_462 : f32 to vector<16xf32>
          %mul3A_464 = arith.mulf %gather3A_460, %mul3A_463 : vector<16xf32>
          %add3A_465 = arith.addf %add3A_451, %mul3A_464 : vector<16xf32>
          %broadcast_in_dim3A_466 = arith.constant 14 : i32
          %broadcast_in_dim3A_467 = vector.broadcast %broadcast_in_dim3A_466 : i32 to vector<16xi32>
          %add3A_468 = vector.broadcast %mul3A_272 : i32 to vector<16xi32>
          %add3A_469 = arith.addi %broadcast_in_dim3A_467, %add3A_468 : vector<16xi32>
          %gather3A_470 = arith.constant 0 : i32
          %gather3A_471 = arith.constant 0 : i32
          %gather3A_472 = tpu.memref_slice %arg8[%rem3A_187, %gather3A_470, %gather3A_471] : memref<4x224x64xf32, #tpu.memory_space<vmem>> -> memref<1x224x64xf32, #tpu.memory_space<vmem>>
          %gather3A_473 = tpu.memref_squeeze %gather3A_472 : memref<1x224x64xf32, #tpu.memory_space<vmem>> -> memref<224x64xf32, #tpu.memory_space<vmem>>
          %gather3A_474 = tpu.vector_load_idx %gather3A_473[%add3A_250, %add3A_469] : memref<224x64xf32, #tpu.memory_space<vmem>>[vector<16xi32>, vector<16xi32>], vector<16xf32>,
          %slice3A_475 = vector.extract_strided_slice %get3A_270 {offsets = [14], sizes = [1], strides = [1]} : vector<16xf32> to vector<1xf32>
          %squeeze3A_476 = vector.extract %slice3A_475[0] : f32 from vector<1xf32>
          %mul3A_477 = vector.broadcast %squeeze3A_476 : f32 to vector<16xf32>
          %mul3A_478 = arith.mulf %gather3A_474, %mul3A_477 : vector<16xf32>
          %add3A_479 = arith.addf %add3A_465, %mul3A_478 : vector<16xf32>
          %broadcast_in_dim3A_480 = arith.constant 15 : i32
          %broadcast_in_dim3A_481 = vector.broadcast %broadcast_in_dim3A_480 : i32 to vector<16xi32>
          %add3A_482 = vector.broadcast %mul3A_272 : i32 to vector<16xi32>
          %add3A_483 = arith.addi %broadcast_in_dim3A_481, %add3A_482 : vector<16xi32>
          %gather3A_484 = arith.constant 0 : i32
          %gather3A_485 = arith.constant 0 : i32
          %gather3A_486 = tpu.memref_slice %arg8[%rem3A_187, %gather3A_484, %gather3A_485] : memref<4x224x64xf32, #tpu.memory_space<vmem>> -> memref<1x224x64xf32, #tpu.memory_space<vmem>>
          %gather3A_487 = tpu.memref_squeeze %gather3A_486 : memref<1x224x64xf32, #tpu.memory_space<vmem>> -> memref<224x64xf32, #tpu.memory_space<vmem>>
          %gather3A_488 = tpu.vector_load_idx %gather3A_487[%add3A_250, %add3A_483] : memref<224x64xf32, #tpu.memory_space<vmem>>[vector<16xi32>, vector<16xi32>], vector<16xf32>,
          %slice3A_489 = vector.extract_strided_slice %get3A_270 {offsets = [15], sizes = [1], strides = [1]} : vector<16xf32> to vector<1xf32>
          %squeeze3A_490 = vector.extract %slice3A_489[0] : f32 from vector<1xf32>
          %mul3A_491 = vector.broadcast %squeeze3A_490 : f32 to vector<16xf32>
          %mul3A_492 = arith.mulf %gather3A_488, %mul3A_491 : vector<16xf32>
          %add3A_493 = arith.addf %add3A_479, %mul3A_492 : vector<16xf32>
          scf.yield %add3A_493 : vector<16xf32>
        }
        %scan3A_257 = arith.constant 4 : i32
        %mul3A_258 = arith.constant 16 : i32
        %mul3A_259 = arith.muli %scan3A_245, %mul3A_258 : i32
        %swap3A = arith.constant 0 : i32
        %swap3A_260 = tpu.memref_slice %arg9[%rem3A_187, %swap3A] : memref<4x224xf32, #tpu.memory_space<vmem>> -> memref<1x224xf32, #tpu.memory_space<vmem>>
        %swap3A_261 = tpu.memref_squeeze %swap3A_260 : memref<1x224xf32, #tpu.memory_space<vmem>> -> memref<224xf32, #tpu.memory_space<vmem>>
        %swap3A_262 = arith.index_cast %mul3A_259 : i32 to index
        %swap3A_263 = tpu.vector_load %swap3A_261[%swap3A_262] {strides = array<i32>} : memref<224xf32, #tpu.memory_space<vmem>>, vector<16xf32>,
        tpu.vector_store %swap3A_261[%swap3A_262], %scan3A_256 {strides = array<i32>} : memref<224xf32, #tpu.memory_space<vmem>>, vector<16xf32>,
        %scan3A_264 = arith.constant 0 : i32
        scf.yield %scan3A_264 : i32
      }
      %scan3A_228 = arith.constant 14 : i32
      %add3A_229 = arith.addi %mul3A_2, %scan3A_185 : i32
      %dma_start3A_230 = arith.constant 0 : i32
      %dma_start3A_231 = tpu.memref_slice %arg9[%rem3A_187, %dma_start3A_230] : memref<4x224xf32, #tpu.memory_space<vmem>> -> memref<1x224xf32, #tpu.memory_space<vmem>>
      %dma_start3A_232 = tpu.memref_squeeze %dma_start3A_231 : memref<1x224xf32, #tpu.memory_space<vmem>> -> memref<224xf32, #tpu.memory_space<vmem>>
      %dma_start3A_233 = arith.constant 0 : i32
      %dma_start3A_234 = tpu.memref_slice %arg5[%add3A_229, %dma_start3A_233] : memref<4096x224xf32, #tpu.memory_space<hbm>> -> memref<1x224xf32, #tpu.memory_space<hbm>>
      %dma_start3A_235 = tpu.memref_squeeze %dma_start3A_234 : memref<1x224xf32, #tpu.memory_space<hbm>> -> memref<224xf32, #tpu.memory_space<hbm>>
      %dma_start3A_236 = tpu.memref_slice %arg11[%rem3A_187] : memref<4x!tpu.dma_semaphore, #tpu.memory_space<semaphore_mem>> -> memref<1x!tpu.dma_semaphore, #tpu.memory_space<semaphore_mem>>
      %dma_start3A_237 = tpu.memref_squeeze %dma_start3A_236 : memref<1x!tpu.dma_semaphore, #tpu.memory_space<semaphore_mem>> -> memref<!tpu.dma_semaphore, #tpu.memory_space<semaphore_mem>>
      %dma_start3A_238 = arith.constant 0 : i32
      %dma_start3A_239 = tpu.memref_slice %arg5[%add3A_229, %dma_start3A_238] : memref<4096x224xf32, #tpu.memory_space<hbm>> -> memref<1x224xf32, #tpu.memory_space<hbm>>
      %dma_start3A_240 = tpu.memref_squeeze %dma_start3A_239 : memref<1x224xf32, #tpu.memory_space<hbm>> -> memref<224xf32, #tpu.memory_space<hbm>>
      %dma_start3A_241 = arith.constant 0 : i32
      %dma_start3A_242 = tpu.memref_slice %arg9[%rem3A_187, %dma_start3A_241] : memref<4x224xf32, #tpu.memory_space<vmem>> -> memref<1x224xf32, #tpu.memory_space<vmem>>
      %dma_start3A_243 = tpu.memref_squeeze %dma_start3A_242 : memref<1x224xf32, #tpu.memory_space<vmem>> -> memref<224xf32, #tpu.memory_space<vmem>>
      tpu.enqueue_dma source(%dma_start3A_243 : memref<224xf32, #tpu.memory_space<vmem>>) target(%dma_start3A_240 : memref<224xf32, #tpu.memory_space<hbm>>) target_semaphore(%dma_start3A_237 : memref<!tpu.dma_semaphore, #tpu.memory_space<semaphore_mem>>)
      %scan3A_244 = arith.constant 0 : i32
      scf.yield %scan3A_244 : i32
    }
    %scan3A_113 = arith.constant 128 : i32
    %add3A_114 = arith.constant 124 : i32
    %add3A_115 = arith.addi %mul3A_2, %add3A_114 : i32
    %dma_wait3A = arith.constant 0 : i32
    %dma_wait3A_116 = arith.constant 0 : i32
    %dma_wait3A_117 = arith.constant 0 : i32
    %dma_wait3A_118 = tpu.memref_slice %arg9[%dma_wait3A, %dma_wait3A_117] : memref<4x224xf32, #tpu.memory_space<vmem>> -> memref<1x224xf32, #tpu.memory_space<vmem>>
    %dma_wait3A_119 = tpu.memref_squeeze %dma_wait3A_118 : memref<1x224xf32, #tpu.memory_space<vmem>> -> memref<224xf32, #tpu.memory_space<vmem>>
    %dma_wait3A_120 = arith.constant 0 : i32
    %dma_wait3A_121 = tpu.memref_slice %arg5[%add3A_115, %dma_wait3A_120] : memref<4096x224xf32, #tpu.memory_space<hbm>> -> memref<1x224xf32, #tpu.memory_space<hbm>>
    %dma_wait3A_122 = tpu.memref_squeeze %dma_wait3A_121 : memref<1x224xf32, #tpu.memory_space<hbm>> -> memref<224xf32, #tpu.memory_space<hbm>>
    %dma_wait3A_123 = tpu.memref_slice %arg11[%dma_wait3A_116] : memref<4x!tpu.dma_semaphore, #tpu.memory_space<semaphore_mem>> -> memref<1x!tpu.dma_semaphore, #tpu.memory_space<semaphore_mem>>
    %dma_wait3A_124 = tpu.memref_squeeze %dma_wait3A_123 : memref<1x!tpu.dma_semaphore, #tpu.memory_space<semaphore_mem>> -> memref<!tpu.dma_semaphore, #tpu.memory_space<semaphore_mem>>
    %dma_wait3A_125 = arith.constant 0 : i32
    %dma_wait3A_126 = tpu.memref_slice %arg5[%add3A_115, %dma_wait3A_125] : memref<4096x224xf32, #tpu.memory_space<hbm>> -> memref<1x224xf32, #tpu.memory_space<hbm>>
    %dma_wait3A_127 = tpu.memref_squeeze %dma_wait3A_126 : memref<1x224xf32, #tpu.memory_space<hbm>> -> memref<224xf32, #tpu.memory_space<hbm>>
    %dma_wait3A_128 = arith.constant 0 : i32
    %dma_wait3A_129 = tpu.memref_slice %arg9[%dma_wait3A, %dma_wait3A_128] : memref<4x224xf32, #tpu.memory_space<vmem>> -> memref<1x224xf32, #tpu.memory_space<vmem>>
    %dma_wait3A_130 = tpu.memref_squeeze %dma_wait3A_129 : memref<1x224xf32, #tpu.memory_space<vmem>> -> memref<224xf32, #tpu.memory_space<vmem>>
    tpu.wait_dma2 semaphore(%dma_wait3A_124 : memref<!tpu.dma_semaphore, #tpu.memory_space<semaphore_mem>>) src(%dma_wait3A_130 : memref<224xf32, #tpu.memory_space<vmem>>) dst(%dma_wait3A_127 : memref<224xf32, #tpu.memory_space<hbm>>)
    %add3A_131 = arith.constant 125 : i32
    %add3A_132 = arith.addi %mul3A_2, %add3A_131 : i32
    %dma_wait3A_133 = arith.constant 1 : i32
    %dma_wait3A_134 = arith.constant 1 : i32
    %dma_wait3A_135 = arith.constant 0 : i32
    %dma_wait3A_136 = tpu.memref_slice %arg9[%dma_wait3A_133, %dma_wait3A_135] : memref<4x224xf32, #tpu.memory_space<vmem>> -> memref<1x224xf32, #tpu.memory_space<vmem>>
    %dma_wait3A_137 = tpu.memref_squeeze %dma_wait3A_136 : memref<1x224xf32, #tpu.memory_space<vmem>> -> memref<224xf32, #tpu.memory_space<vmem>>
    %dma_wait3A_138 = arith.constant 0 : i32
    %dma_wait3A_139 = tpu.memref_slice %arg5[%add3A_132, %dma_wait3A_138] : memref<4096x224xf32, #tpu.memory_space<hbm>> -> memref<1x224xf32, #tpu.memory_space<hbm>>
    %dma_wait3A_140 = tpu.memref_squeeze %dma_wait3A_139 : memref<1x224xf32, #tpu.memory_space<hbm>> -> memref<224xf32, #tpu.memory_space<hbm>>
    %dma_wait3A_141 = tpu.memref_slice %arg11[%dma_wait3A_134] : memref<4x!tpu.dma_semaphore, #tpu.memory_space<semaphore_mem>> -> memref<1x!tpu.dma_semaphore, #tpu.memory_space<semaphore_mem>>
    %dma_wait3A_142 = tpu.memref_squeeze %dma_wait3A_141 : memref<1x!tpu.dma_semaphore, #tpu.memory_space<semaphore_mem>> -> memref<!tpu.dma_semaphore, #tpu.memory_space<semaphore_mem>>
    %dma_wait3A_143 = arith.constant 0 : i32
    %dma_wait3A_144 = tpu.memref_slice %arg5[%add3A_132, %dma_wait3A_143] : memref<4096x224xf32, #tpu.memory_space<hbm>> -> memref<1x224xf32, #tpu.memory_space<hbm>>
    %dma_wait3A_145 = tpu.memref_squeeze %dma_wait3A_144 : memref<1x224xf32, #tpu.memory_space<hbm>> -> memref<224xf32, #tpu.memory_space<hbm>>
    %dma_wait3A_146 = arith.constant 0 : i32
    %dma_wait3A_147 = tpu.memref_slice %arg9[%dma_wait3A_133, %dma_wait3A_146] : memref<4x224xf32, #tpu.memory_space<vmem>> -> memref<1x224xf32, #tpu.memory_space<vmem>>
    %dma_wait3A_148 = tpu.memref_squeeze %dma_wait3A_147 : memref<1x224xf32, #tpu.memory_space<vmem>> -> memref<224xf32, #tpu.memory_space<vmem>>
    tpu.wait_dma2 semaphore(%dma_wait3A_142 : memref<!tpu.dma_semaphore, #tpu.memory_space<semaphore_mem>>) src(%dma_wait3A_148 : memref<224xf32, #tpu.memory_space<vmem>>) dst(%dma_wait3A_145 : memref<224xf32, #tpu.memory_space<hbm>>)
    %add3A_149 = arith.constant 126 : i32
    %add3A_150 = arith.addi %mul3A_2, %add3A_149 : i32
    %dma_wait3A_151 = arith.constant 2 : i32
    %dma_wait3A_152 = arith.constant 2 : i32
    %dma_wait3A_153 = arith.constant 0 : i32
    %dma_wait3A_154 = tpu.memref_slice %arg9[%dma_wait3A_151, %dma_wait3A_153] : memref<4x224xf32, #tpu.memory_space<vmem>> -> memref<1x224xf32, #tpu.memory_space<vmem>>
    %dma_wait3A_155 = tpu.memref_squeeze %dma_wait3A_154 : memref<1x224xf32, #tpu.memory_space<vmem>> -> memref<224xf32, #tpu.memory_space<vmem>>
    %dma_wait3A_156 = arith.constant 0 : i32
    %dma_wait3A_157 = tpu.memref_slice %arg5[%add3A_150, %dma_wait3A_156] : memref<4096x224xf32, #tpu.memory_space<hbm>> -> memref<1x224xf32, #tpu.memory_space<hbm>>
    %dma_wait3A_158 = tpu.memref_squeeze %dma_wait3A_157 : memref<1x224xf32, #tpu.memory_space<hbm>> -> memref<224xf32, #tpu.memory_space<hbm>>
    %dma_wait3A_159 = tpu.memref_slice %arg11[%dma_wait3A_152] : memref<4x!tpu.dma_semaphore, #tpu.memory_space<semaphore_mem>> -> memref<1x!tpu.dma_semaphore, #tpu.memory_space<semaphore_mem>>
    %dma_wait3A_160 = tpu.memref_squeeze %dma_wait3A_159 : memref<1x!tpu.dma_semaphore, #tpu.memory_space<semaphore_mem>> -> memref<!tpu.dma_semaphore, #tpu.memory_space<semaphore_mem>>
    %dma_wait3A_161 = arith.constant 0 : i32
    %dma_wait3A_162 = tpu.memref_slice %arg5[%add3A_150, %dma_wait3A_161] : memref<4096x224xf32, #tpu.memory_space<hbm>> -> memref<1x224xf32, #tpu.memory_space<hbm>>
    %dma_wait3A_163 = tpu.memref_squeeze %dma_wait3A_162 : memref<1x224xf32, #tpu.memory_space<hbm>> -> memref<224xf32, #tpu.memory_space<hbm>>
    %dma_wait3A_164 = arith.constant 0 : i32
    %dma_wait3A_165 = tpu.memref_slice %arg9[%dma_wait3A_151, %dma_wait3A_164] : memref<4x224xf32, #tpu.memory_space<vmem>> -> memref<1x224xf32, #tpu.memory_space<vmem>>
    %dma_wait3A_166 = tpu.memref_squeeze %dma_wait3A_165 : memref<1x224xf32, #tpu.memory_space<vmem>> -> memref<224xf32, #tpu.memory_space<vmem>>
    tpu.wait_dma2 semaphore(%dma_wait3A_160 : memref<!tpu.dma_semaphore, #tpu.memory_space<semaphore_mem>>) src(%dma_wait3A_166 : memref<224xf32, #tpu.memory_space<vmem>>) dst(%dma_wait3A_163 : memref<224xf32, #tpu.memory_space<hbm>>)
    %add3A_167 = arith.constant 127 : i32
    %add3A_168 = arith.addi %mul3A_2, %add3A_167 : i32
    %dma_wait3A_169 = arith.constant 3 : i32
    %dma_wait3A_170 = arith.constant 3 : i32
    %dma_wait3A_171 = arith.constant 0 : i32
    %dma_wait3A_172 = tpu.memref_slice %arg9[%dma_wait3A_169, %dma_wait3A_171] : memref<4x224xf32, #tpu.memory_space<vmem>> -> memref<1x224xf32, #tpu.memory_space<vmem>>
    %dma_wait3A_173 = tpu.memref_squeeze %dma_wait3A_172 : memref<1x224xf32, #tpu.memory_space<vmem>> -> memref<224xf32, #tpu.memory_space<vmem>>
    %dma_wait3A_174 = arith.constant 0 : i32
    %dma_wait3A_175 = tpu.memref_slice %arg5[%add3A_168, %dma_wait3A_174] : memref<4096x224xf32, #tpu.memory_space<hbm>> -> memref<1x224xf32, #tpu.memory_space<hbm>>
    %dma_wait3A_176 = tpu.memref_squeeze %dma_wait3A_175 : memref<1x224xf32, #tpu.memory_space<hbm>> -> memref<224xf32, #tpu.memory_space<hbm>>
    %dma_wait3A_177 = tpu.memref_slice %arg11[%dma_wait3A_170] : memref<4x!tpu.dma_semaphore, #tpu.memory_space<semaphore_mem>> -> memref<1x!tpu.dma_semaphore, #tpu.memory_space<semaphore_mem>>
    %dma_wait3A_178 = tpu.memref_squeeze %dma_wait3A_177 : memref<1x!tpu.dma_semaphore, #tpu.memory_space<semaphore_mem>> -> memref<!tpu.dma_semaphore, #tpu.memory_space<semaphore_mem>>
    %dma_wait3A_179 = arith.constant 0 : i32
    %dma_wait3A_180 = tpu.memref_slice %arg5[%add3A_168, %dma_wait3A_179] : memref<4096x224xf32, #tpu.memory_space<hbm>> -> memref<1x224xf32, #tpu.memory_space<hbm>>
    %dma_wait3A_181 = tpu.memref_squeeze %dma_wait3A_180 : memref<1x224xf32, #tpu.memory_space<hbm>> -> memref<224xf32, #tpu.memory_space<hbm>>
    %dma_wait3A_182 = arith.constant 0 : i32
    %dma_wait3A_183 = tpu.memref_slice %arg9[%dma_wait3A_169, %dma_wait3A_182] : memref<4x224xf32, #tpu.memory_space<vmem>> -> memref<1x224xf32, #tpu.memory_space<vmem>>
    %dma_wait3A_184 = tpu.memref_squeeze %dma_wait3A_183 : memref<1x224xf32, #tpu.memory_space<vmem>> -> memref<224xf32, #tpu.memory_space<vmem>>
    tpu.wait_dma2 semaphore(%dma_wait3A_178 : memref<!tpu.dma_semaphore, #tpu.memory_space<semaphore_mem>>) src(%dma_wait3A_184 : memref<224xf32, #tpu.memory_space<vmem>>) dst(%dma_wait3A_181 : memref<224xf32, #tpu.memory_space<hbm>>)
    return
  }
}

module attributes {stable_mosaic.version = 14 : i64} {
  func.func @_loss_body(%arg0: memref<4096x224xf32, #tpu.memory_space<vmem>>, %arg1: memref<1x1xf32, #tpu.memory_space<smem>>) attributes {dimension_semantics = [], scalar_prefetch = 0 : i64, scratch_operands = 0 : i64, tpu.core_type = #tpu.core_type<tc>} {
    %get3A = arith.constant 0 : index
    %get3A_0 = arith.constant 0 : index
    %get3A_1 = vector.load %arg0[%get3A, %get3A_0] : memref<4096x224xf32, #tpu.memory_space<vmem>>, vector<4096x224xf32>
    %iota3A = tpu.iota {dimensions = array<i32: 1>} : vector<4096x224xi32>
    %lt3A = arith.constant 10 : i32
    %lt3A_2 = vector.broadcast %lt3A : i32 to vector<4096x224xi32>
    %lt3A_3 = arith.cmpi slt, %iota3A, %lt3A_2 : vector<4096x224xi32>
    %neg3A = arith.constant 0.000000e+00 : f32
    %neg3A_4 = vector.broadcast %neg3A : f32 to vector<4096x224xf32>
    %neg3A_5 = arith.subf %neg3A_4, %get3A_1 : vector<4096x224xf32>
    %select_n3A = arith.select %lt3A_3, %neg3A_5, %get3A_1 : vector<4096x224xi1>, vector<4096x224xf32>
    %custom_jvp_call3A = arith.constant 0.000000e+00 : f32
    %max3A = vector.broadcast %custom_jvp_call3A : f32 to vector<4096x224xf32>
    %max3A_6 = arith.maximumf %select_n3A, %max3A : vector<4096x224xf32>
    %sub3A = vector.broadcast %custom_jvp_call3A : f32 to vector<4096x224xf32>
    %sub3A_7 = arith.subf %select_n3A, %sub3A : vector<4096x224xf32>
    %ne3A = arith.cmpf one, %sub3A_7, %sub3A_7 : vector<4096x224xf32>
    %add3A = vector.broadcast %custom_jvp_call3A : f32 to vector<4096x224xf32>
    %add3A_8 = arith.addf %select_n3A, %add3A : vector<4096x224xf32>
    %abs3A = math.absf %sub3A_7 : vector<4096x224xf32>
    %neg3A_9 = arith.constant 0.000000e+00 : f32
    %neg3A_10 = vector.broadcast %neg3A_9 : f32 to vector<4096x224xf32>
    %neg3A_11 = arith.subf %neg3A_10, %abs3A : vector<4096x224xf32>
    %exp3A = math.exp %neg3A_11 : vector<4096x224xf32>
    %log1p3A = math.log1p %exp3A : vector<4096x224xf32>
    %add3A_12 = arith.addf %max3A_6, %log1p3A : vector<4096x224xf32>
    %select_n3A_13 = arith.select %ne3A, %add3A_8, %add3A_12 : vector<4096x224xi1>, vector<4096x224xf32>
    %lt3A_14 = arith.constant 210 : i32
    %lt3A_15 = vector.broadcast %lt3A_14 : i32 to vector<4096x224xi32>
    %lt3A_16 = arith.cmpi slt, %iota3A, %lt3A_15 : vector<4096x224xi32>
    %jit3A = arith.constant 0.000000e+00 : f32
    %broadcast_in_dim3A = vector.broadcast %jit3A : f32 to vector<4096x224xf32>
    %select_n3A_17 = arith.select %lt3A_16, %select_n3A_13, %broadcast_in_dim3A : vector<4096x224xi1>, vector<4096x224xf32>
    %reduce_sum3A = vector.shape_cast %select_n3A_17 : vector<4096x224xf32> to vector<1x4096x224xf32>
    %reduce_sum3A_18 = arith.constant dense<0.000000e+00> : vector<1xf32>
    %reduce_sum3A_19 = vector.multi_reduction <add>, %reduce_sum3A, %reduce_sum3A_18 [1, 2] : vector<1x4096x224xf32> to vector<1xf32>
    %reduce_sum3A_20 = vector.shape_cast %reduce_sum3A_19 : vector<1xf32> to vector<1x1x1xf32>
    %reduce_sum3A_21 = vector.extract %reduce_sum3A_20[0, 0, 0] : f32 from vector<1x1x1xf32>
    %mul3A = arith.constant 2.44140629E-5 : f32
    %mul3A_22 = arith.mulf %reduce_sum3A_21, %mul3A : f32
    %swap3A = arith.constant 0 : index
    %swap3A_23 = arith.constant 0 : index
    %swap3A_24 = memref.load %arg1[%swap3A, %swap3A_23] : memref<1x1xf32, #tpu.memory_space<smem>>
    memref.store %mul3A_22, %arg1[%swap3A, %swap3A_23] : memref<1x1xf32, #tpu.memory_space<smem>>
    return
  }
}

</mosaic_0001>

<sc_bundles>
// kernel: gather_offload_async_start
scs
__scs_entry_jumppad:
0x0: {  	(pc) =	sbr.rel $0x88, $3  }
0x1: {  	(tag) =	ssettag $0x0;
	lr =	simm.s32 $0x1  }
0x2: {  	[smem:$0x3F9C] =	sst lr;
	_ =	strace $0xD0000000  }
0x3: {  	_ = 	snop  }
0x4: {  	_ = 	snop  }
0x5: {  	_ = 	snop  }
0x6: {  	_ = 	snop  }
0x7: {  	_ = 	snop  }
__scs_overlays_trampoline_lowered:
0x8: {  	[smem:$0x3FAB] =	sst s0  }
0x9: {  	[smem:$0x3FAC] =	sst s1  }
0xa: {  	[smem:$0x3FAD] =	sst s2  }
0xb: {  	[smem:$0x3FAE] =	sst s3  }
0xc: {  	[smem:$0x3FAF] =	sst s4  }
0xd: {  	[smem:$0x3FB0] =	sst s5  }
0xe: {  	[smem:$0x3FB1] =	sst s6  }
0xf: {  	[smem:$0x3FB2] =	sst s7  }
0x10: {  	[smem:$0x3FB3] =	sst s8  }
0x11: {  	[smem:$0x3FB4] =	sst s9;
	s0 =	simm.s32 @!p0 $0x0  }
0x12: {  	s1 =	sld [smem:$0x3F9A];
	s0 =	simm.s32 @p0 $0x1  }
0x13: {  	[smem:$0x3FB5] =	sst s0;
	s0 =	simm.s32 @!p1 $0x0  }
0x14: {  	s2 =	sld [smem:$0x3F99];
	s0 =	simm.s32 @p1 $0x1  }
0x15: {  	[smem:$0x3FB6] =	sst s0;
	s0 =	simm.s32 @!p2 $0x0  }
0x16: {  	s3 =	sld [smem:$0x3FDB];
	s0 =	simm.s32 @p2 $0x1  }
0x17: {  	s4 =	simm.s32 $0x1BF5;
	[smem:$0x3FB8] =	sst s0  }
0x18: {  	s0 =	sld [smem:$0x3F9B];
	_ =	swait.ge [sflag:s4], $0x0  }
0x19: {  	s7 =	sld [smem:$0x3F9C]  }
0x1a: {  	s8 =	sadd.s32 $0xFFFFE003, lr  }
0x1b: {  	s9 =	sadd.s32 $0xFFFFFEF7, lr;
	s5 =	simm.s32 $0xFFFFFFFF;
	p2 =	slt.u32 s8, $0xFFFFF086  }
0x1c: {  	p1 =	slt.u32 s9, $0xF7A;
	s5 =	simm.s32 @!p2 $0x0  }
0x1d: {  	s5 =	simm.s32 @p1 $0x1;
	p0 =	seq.s32 s7, s2  }
0x1e: {  	s7 =	smul.u32 @!p0 $0xF7A, s2;
	p2 =	seq.s32 @!p0 s5, $0x0  }
0x1f: {  	s9 =	smul.u32 $0xF7A, s1;
	s8 =	simm.s32 @!p0 $0x1BF5;
	p2 =	por !p2, p0  }
0x20: {  	[sflag:s8] =	ssyncset.s32 @!p0 $0xFFFFF086;
	s6 =	sadd.s32 @!p0 s3, s7;
	s7 =	simm.s32 @!p0 $0x108  }
0x21: {  	s3 =	sadd.s32 s3, s9;
	s6 =	sadd.s32 @!p0 $0x88, s6;
	s7 =	simm.s32 @p2 $0x1082  }
0x22: {  	[simem:s7], [sflag:s8] =	dma.local @!p0 [hbm:s6], $0xF7A  }
0x23: {  	s9 =	sor.u32 $0xD0000000, s2;
	s6 =	simm.s32 $0x108;
	_ =	swait.ge @!p0 [sflag:s8], $0x0  }
0x24: {  	s3 =	sadd.s32 $0x88, s3;
	s6 =	simm.s32 @!p1 $0x1082;
	[sflag:s4] =	ssyncset.s32 $0xFFFFF086  }
0x25: {  	[simem:s6], [sflag:s4] =	dma.local [hbm:s3], $0xF7A  }
0x26: {  	[smem:$0x3F9C] =	sst s1;
	(tag) =	ssettag s2;
	_ =	strace s9  }
0x27: {  	s1 =	sld [smem:$0x3FAC]  }
0x28: {  	s2 =	sld [smem:$0x3FAD]  }
0x29: {  	s4 =	sld [smem:$0x3FAF]  }
0x2a: {  	p0 =	seq.s32 s5, $0x0;
	s5 =	sld [smem:$0x3FB0]  }
0x2b: {  	s6 =	sld [smem:$0x3FB1]  }
0x2c: {  	s7 =	sld [smem:$0x3FB2]  }
0x2d: {  	s3 =	simm.s32 $0x108;
	s8 =	sld [smem:$0x3FB3]  }
0x2e: {  	s3 =	simm.s32 @!p0 $0x1082;
	s9 =	sld [smem:$0x3FB4]  }
0x2f: {  	lr =	sadd.s32 s0, s3;
	s0 =	sld [smem:$0x3FAB]  }
0x30: {  	s3 =	sld [smem:$0x3FAE]  }
0x31: {  	[smem:$0x3FB7] =	sst s10  }
0x32: {  	s10 =	sld [smem:$0x3FB5];
	_ =	sdelay $0x3  }
0x33: {  	p0 =	seq.s32 s10, $0x1;
	s10 =	sld [smem:$0x3FB7];
	_ =	sdelay $0x3  }
0x34: {  	[smem:$0x3FB7] =	sst s10  }
0x35: {  	s10 =	sld [smem:$0x3FB6];
	_ =	sdelay $0x3  }
0x36: {  	p1 =	seq.s32 s10, $0x1;
	s10 =	sld [smem:$0x3FB7];
	_ =	sdelay $0x3  }
0x37: {  	[smem:$0x3FB7] =	sst s10  }
0x38: {  	s10 =	sld [smem:$0x3FB8]  }
0x39: {  	_ = 	snop;
	(pc) =	sbr.ind lr, $3  }
0x3a: {  	_ = 	snop  }
0x3b: {  	_ = 	snop  }
0x3c: {  	p2 =	seq.s32 s10, $0x1;
	s10 =	sld [smem:$0x3FB7]  }
0x3d: {  	_ =	shalt  }
0x3e: {  	_ =	shalt  }
0x3f: {  	_ =	shalt  }
0x40: {  	_ =	shalt  }
0x41: {  	_ =	shalt  }
0x42: {  	_ =	shalt  }
0x43: {  	_ =	shalt  }
0x44: {  	_ =	shalt  }
0x45: {  	_ =	shalt  }
0x46: {  	_ =	shalt  }
0x47: {  	_ =	shalt  }
0x48: {  	_ =	shalt  }
0x49: {  	_ =	shalt  }
0x4a: {  	_ =	shalt  }
0x4b: {  	_ =	shalt  }
0x4c: {  	_ =	shalt  }
0x4d: {  	_ =	shalt  }
0x4e: {  	_ =	shalt  }
0x4f: {  	_ =	shalt  }
0x50: {  	_ =	shalt  }
0x51: {  	_ =	shalt  }
0x52: {  	_ =	shalt  }
0x53: {  	_ =	shalt  }
0x54: {  	_ =	shalt  }
0x55: {  	_ =	shalt  }
0x56: {  	_ =	shalt  }
0x57: {  	_ =	shalt  }
0x58: {  	_ =	shalt  }
0x59: {  	_ =	shalt  }
0x5a: {  	_ =	shalt  }
0x5b: {  	_ =	shalt  }
0x5c: {  	_ =	shalt  }
0x5d: {  	_ =	shalt  }
0x5e: {  	_ =	shalt  }
0x5f: {  	_ =	shalt  }
0x60: {  	_ =	shalt  }
0x61: {  	_ =	shalt  }
0x62: {  	_ =	shalt  }
0x63: {  	_ =	shalt  }
0x64: {  	_ =	shalt  }
0x65: {  	_ =	shalt  }
0x66: {  	_ =	shalt  }
0x67: {  	_ =	shalt  }
0x68: {  	_ =	shalt  }
0x69: {  	_ =	shalt  }
0x6a: {  	_ =	shalt  }
0x6b: {  	_ =	shalt  }
0x6c: {  	_ =	shalt  }
0x6d: {  	_ =	shalt  }
0x6e: {  	_ =	shalt  }
0x6f: {  	_ =	shalt  }
0x70: {  	_ =	shalt  }
0x71: {  	_ =	shalt  }
0x72: {  	_ =	shalt  }
0x73: {  	_ =	shalt  }
0x74: {  	_ =	shalt  }
0x75: {  	_ =	shalt  }
0x76: {  	_ =	shalt  }
0x77: {  	_ =	shalt  }
0x78: {  	_ =	shalt  }
0x79: {  	_ =	shalt  }
0x7a: {  	_ =	shalt  }
0x7b: {  	_ =	shalt  }
0x7c: {  	_ =	shalt  }
0x7d: {  	_ =	shalt  }
0x7e: {  	_ =	shalt  }
0x7f: {  	_ =	shalt  }
0x80: {  	_ =	shalt  }
0x81: {  	_ =	shalt  }
0x82: {  	_ =	shalt  }
0x83: {  	_ =	shalt  }
0x84: {  	_ =	shalt  }
0x85: {  	_ =	shalt  }
0x86: {  	_ =	shalt  }
0x87: {  	_ =	shalt  }
.Lfunc_end0:
.L_simem_size_0:
called_computation_lowered:
.L_overlay_start_0:
0x88: {  	s2 =	sld [smem:$0x3FD9]  }
0x89: {  	s3 =	sld [smem:$0x3FFE];
	_ =	sdelay $0x1  }
0x8a: {  	s1 =	srdreg.scid  }
0x8b: {  	s0 =	sand.u32 $0x1, s1  }
0x8c: {  	s16 =	sshll.u32 s0, $0xA;
	s2 =	sadd.s32 s3, s2  }
0x8d: {  	s2 =	sadd.s32 s2, s16  }
0x8e: {  	[smem:$0x3FC3] =	sst s2  }
0x8f: {  	_ = 	snop  }
0x90: {  	(tm) =	ssettm $0x1  }
0x91: {  	s17 =	sld [smem:$0x3FFB];
	_ =	sdelay $0x3  }
0x92: {  	_ =	strace s17  }
0x93: {  	s2 =	sld [smem:$0x3FFC];
	_ =	sdelay $0x3  }
0x94: {  	_ =	strace s2  }
0x95: {  	s2 =	sld [smem:$0x3FFD];
	_ =	sdelay $0x3  }
0x96: {  	_ =	strace s2  }
0x97: {  	_ =	strace $0x8FFFFFFF  }
0x98: {  	s18 =	sld [smem:$0x3FDB];
	_ =	sdelay $0x1  }
0x99: {  	s19 =	simm.s32 $_scs_section_size  }
0x9a: {  	s4 =	simm.s32 $_size__tile_overlayer_lowered;
	s5 =	simm.s32 $_tile_overlayer_lowered  }
0x9b: {  	s22 =	simm.s32 $0x1BFF;
	s21 =	sshll.u32 s5, $0x1;
	s2 =	sadd.s32 s19, s18  }
0x9c: {  	s6 =	simm.s32 $0x0;
	s20 =	sshll.u32 s4, $0x1;
	s4 =	sadd.s32 s21, s2  }
0x9d: {  	[timem:s6], [sflag:s22] =	dma.local [hbm:s4], s20  }
0x9e: {  	_ =	swait.ge [sflag:s22], s20  }
0x9f: {  	s3 =	ssub.s32 $0x0, s20;
	[sflag:s22] =	ssyncset.done $0x0  }
0xa0: {  	[sflag:s22] =	ssyncadd.s32 s3;
	_ =	sdelay $0x1  }
0xa1: {  	s23 =	simm.s32 $0x1B8B  }
0xa2: {  	_ =	swait.ge [sflag:s23], $0x1  }
0xa3: {  	[sflag:s23] =	ssyncset.done $0x0  }
0xa4: {  	s25 =	simm.s32 $0x1B8E;
	s24 =	sld [smem:$0x3FFE];
	[sflag:s23] =	ssyncadd.s32 $0xFFFFFFFF  }
0xa5: {  	s26 =	simm.s32 $execute0_lowered;
	[smem:$0x3FD2] =	sst s25  }
0xa6: {  	s4 =	sshll.u32 s26, $0x1;
	_ =	strace $0x80000046;
	[dreg:$0x1] =	wrdreg $0xFFFFFFFF  }
0xa7: {  	s28 =	simm.s32 $_size_execute0_lowered;
	s2 =	sadd.s32 s2, s4;
	[dreg:$0x0] =	wrdreg $0x0  }
0xa8: {  	s4 =	sshll.u32 s28, $0x1;
	[dreg:$0x2] =	wrdreg s2  }
0xa9: {  	[dreg:$0x3] =	wrdreg s4  }
0xaa: {  	[dreg:$0x4] =	wrdreg $0xC0  }
0xab: {  	_ =	task [dreg:s6], $0x5FFFF  }
0xac: {  	[dreg:$0x1] =	wrdreg $0xFFFFFFFF  }
0xad: {  	[dreg:$0x0] =	wrdreg $0x60  }
0xae: {  	[dreg:$0x2] =	wrdreg s24  }
0xaf: {  	[dreg:$0x3] =	wrdreg $0x9  }
0xb0: {  	_ =	task.clear_ibuf [dreg:s6], $0x4FFFF;
	_ =	strace $0x90000046  }
0xb1: {  	s29 =	simm.s32 $0x9;
	_ =	strace $0x80000048  }
0xb2: {  	_ =	swait.ge [sflag:s29], $0x1  }
0xb3: {  	[sflag:s29] =	ssyncadd.s32 $0xFFFFFFFF  }
0xb4: {  	_ =	strace $0x90000048  }
0xb5: {  	_ =	sfence  }
0xb6: {  	s30 =	sld [smem:$0x0];
	_ =	sdelay $0x2  }
0xb7: {  	s31 =	sshll.u32 s1, $0xD;
	s1 =	sshrl.u32 s1, $0x2  }
0xb8: {  	s3 =	sand.u32 $0x4000, s31;
	s1 =	sadd.s32 s1, s30  }
0xb9: {  	s0 =	sor.u32 s3, s0;
	s1 =	sshll.u32 s1, $0x11  }
0xba: {  	s0 =	sor.u32 s1, s0  }
0xbb: {  	s0 =	sadd.s32 $0x8F2B, s0  }
0xbc: {  	[sflag:s0] =	ssyncadd.remote.s32 $0x1  }
0xbd: {  	_ =	sfence.sel $0xFFFF  }
0xbe: {  	[dreg:$0x0] =	wrdreg $0xFFFFFFFF;
	(pc) =	sbr.abs _section_cstart, $3  }
0xbf: {  	[dreg:$0x1] =	wrdreg $0xFFFFFFFF  }
0xc0: {  	_ =	task.clear_ibuf [dreg:s6], $0x2FFFF;
	_ =	strace $0x9FFFFFFF  }
0xc1: {  	(tm) =	ssettm $0x7FFFFFFF  }
tec
execute0_lowered:
.L_overlay_start_1:
0x0: {  	(tag) =	ssettag $0x1  }
0x1: {  	s7 =	rddreg [dreg:$0x0]  }
0x2: {  	s0 =	rddreg [dreg:$0x1];
	_ =	strace $0x80000047  }
0x3: {  	s1 =	srdreg.scid;
	s4 =	simm.s32 $0x1;
	s9 =	simm.s32 $0x3  }
0x4: {  	s12 =	simm.s32 $0x0;
	s10 =	simm.s32 $0x0;
	s5 =	sshll.u32 s1, $0x4  }
.Ltmp0:
0x5: {  	s1 =	stileid.u32;
	s5 =	sand.u32 $0x10, s5;
	(pc) =	sbr.rel .LBB2_1-.Ltmp0, $4  }
0x6: {  	s2 =	sadd.s32 $0x1200, s7;
	s3 =	sadd.s32 $0x16E4800, s7;
	s6 =	sor.u32 s1, s5  }
0x7: {  	[sflag:s4] =	ssyncpa.u1 $0x0;
	s5 =	simm.s32 $0x2;
	s6 =	sshll.u32 s6, $0x7  }
0x8: {  	s7 =	sadd.s32 $0x1700A00, s7;
	[sflag:s5] =	ssyncpa.u1 $0x0;
	s8 =	sadd.s32 $0x80, s6  }
0x9: {  	vm0 =	vmmov $0xff;
	vm1 =	vcmask $0x3F20;
	[sflag:s9] =	ssyncpa.u1 $0x0;
	s9 =	simm.s32 $0x80;
	s11 =	smov.u32 s6  }
.LBB2_9:
0xa: {  	p0 =	seq.s32 s10, $0x2  }
.Ltmp1:
0xb: {  	_ = 	snop;
	(pc) =	sbr.rel @p0 .LBB2_11-.Ltmp1, $1  }
0xc: {  	_ =	sdelay $0x3  }
.LBB2_10:
0xd: {  	s12 =	sadd.s32 $0x80, s11  }
0xe: {  	s13 =	smov.u32 s6;
	p0 =	slt.s32 s12, s8  }
0xf: {  	s13 =	smov.u32 @p0 s12  }
0x10: {  	s10 =	sadd.s32 $0x1, s10;
	s12 =	smov.u32 s11;
	s11 =	smov.u32 s13  }
.LBB2_1:
0x11: {  	p0 =	sne.s32 s10, $0x0  }
.Ltmp2:
0x12: {  	_ = 	snop;
	(pc) =	sbr.rel @!p0 .LBB2_2-.Ltmp2, $1  }
0x13: {  	_ =	sdelay $0x3  }
0x14: {  	s13 =	sand.u32 $0x1, s10  }
0x15: {  	p0 =	seq.s32 s13, $0x0  }
.Ltmp3:
0x16: {  	_ = 	snop;
	(pc) =	sbr.rel @p0 .LBB2_9-.Ltmp3, $1  }
0x17: {  	_ =	sdelay $0x3  }
0x18: {  	_ =	swait.ge [sflag:s5], $0x80  }
0x19: {  	[sflag:s5] =	ssyncset.done $0x0  }
0x1a: {  	s13 =	simm.s32 $0x0;
	[sflag:s5] =	ssyncadd.s32 $0xFFFFFF80  }
0x1b: {  	v0 =	vld.msk [tilespmem:s13+$0x80 ss:$0x1], $0xffff;
	_ =	sdelay $0x4  }
0x1c: {  	vm2 =	vgt.s32 v0, $0x0  }
0x1d: {  	v0 =	vnsel vm2, $0x0, v0  }
0x1e: {  	v0 =	vmin.u32 v0, $0xF423F  }
0x1f: {  	v0 =	vshll.u32 v0, $0x4;
	_ =	sdelay $0x3  }
0x20: {  	s13 =	simm.s32 $0x4100  }
0x21: {  	[tilespmem:s13], [sflag:$0x1] =	stream.indirect_vreg.gather [hbm:s2], $0x80, v0, vm0, $0x38;
	[tilespmem:$0x8100] =	vst v63  }
0x22: {  	s14 =	simm.s32 $0x4500;
	s31 =	simm.s32 $0x10  }
0x23: {  	[tilespmem:s14], [sflag:$0x1] =	stream.indirect_vreg.gather [hbm:s2], $0x80, v0, vm1, $0x38;
	[tilespmem:$0x8100] =	vst v63  }
0x24: {  	s14 =	simm.s32 $0x80;
	v0 =	vld.msk [tilespmem:s31+$0x80 ss:$0x1], $0xffff  }
.LBB2_5:
0x25: {  	p0 =	sne.s32 s14, $0x1C0;
	_ =	sdelay $0x4  }
0x26: {  	vm2 =	vgt.s32 v0, $0x0  }
0x27: {  	v0 =	vnsel vm2, $0x0, v0  }
0x28: {  	v0 =	vmin.u32 v0, $0xF423F  }
0x29: {  	v0 =	vshll.u32 v0, $0x4;
	_ =	sdelay $0x3  }
.Ltmp4:
0x2a: {  	s13 =	sadd.s32 $0x800, s13;
	(pc) =	sbr.rel @p0 .LBB2_5-.Ltmp4, $4  }
0x2b: {  	[tilespmem:s13], [sflag:$0x1] =	stream.indirect_vreg.gather [hbm:s2], $0x80, v0, vm0, $0x38;
	[tilespmem:$0x8100] =	vst v63  }
0x2c: {  	s15 =	sshra.s32 s14, $0x2;
	s16 =	sadd.s32 $0x400, s13  }
0x2d: {  	[tilespmem:s16], [sflag:$0x1] =	stream.indirect_vreg.gather [hbm:s2], $0x80, v0, vm1, $0x38;
	[tilespmem:$0x8100] =	vst v63  }
0x2e: {  	s14 =	sadd.s32 $0x40, s14;
	v0 =	vld.msk [tilespmem:s15+$0x80 ss:$0x1], $0xffff  }
0x2f: {  	_ =	sdelay $0x3  }
0x30: {  	vm2 =	vgt.s32 v0, $0x0  }
0x31: {  	v0 =	vnsel vm2, $0x0, v0  }
0x32: {  	v0 =	vmin.u32 v0, $0xF423F  }
0x33: {  	v0 =	vshll.u32 v0, $0x4;
	_ =	sdelay $0x3  }
0x34: {  	s13 =	sadd.s32 $0x800, s13  }
0x35: {  	[tilespmem:s13], [sflag:$0x1] =	stream.indirect_vreg.gather [hbm:s2], $0x80, v0, vm0, $0x38;
	[tilespmem:$0x8100] =	vst v63  }
0x36: {  	s13 =	sadd.s32 $0x400, s13  }
0x37: {  	[tilespmem:s13], [sflag:$0x1] =	stream.indirect_vreg.gather [hbm:s2], $0x80, v0, vm1, $0x38;
	[tilespmem:$0x8100] =	vst v63  }
0x38: {  	s12 =	sshll.u32 s12, $0x4;
	s14 =	simm.s32 $0x80;
	_ =	swait.ge [sflag:s4], $0x4000  }
0x39: {  	s15 =	simm.s32 $0x4500;
	s12 =	sadd.s32 s12, s7;
	[sflag:s4] =	ssyncset.done $0x0  }
0x3a: {  	s16 =	sadd.s32 $0x0, s12;
	s13 =	simm.s32 $0x4100;
	[sflag:s4] =	ssyncadd.s32 $0xFFFFC000  }
.LBB2_7:
0x3b: {  	[hbm:s16] =	stream.linear.scatter [tilespmem:s13], [sflag:$0x3], $0x400, $0x38;
	[tilespmem:$0x8100] =	vst v63  }
0x3c: {  	s16 =	smov.u32 s14;
	s13 =	smov.u32 s15;
	p0 =	sne.s32 s14, $0x780  }
.Ltmp5:
0x3d: {  	s14 =	sadd.s32 $0x80, s14;
	(pc) =	sbr.rel @p0 .LBB2_7-.Ltmp5, $2  }
0x3e: {  	_ =	sdelay $0x2  }
0x3f: {  	s15 =	sadd.s32 $0x400, s15;
	s16 =	sadd.s32 s16, s12  }
.Ltmp6:
0x40: {  	(pc) =	sbr.rel .LBB2_9-.Ltmp6, $2  }
0x41: {  	_ =	sdelay $0x2  }
0x42: {  	[hbm:s16] =	stream.linear.scatter [tilespmem:s13], [sflag:$0x3], $0x400, $0x38;
	[tilespmem:$0x8100] =	vst v63  }
.LBB2_2:
.Ltmp7:
0x43: {  	(pc) =	sbr.rel .LBB2_10-.Ltmp7, $4  }
0x44: {  	_ = 	snop  }
0x45: {  	s12 =	sshrl.u32 s11, $0x3  }
0x46: {  	s13 =	sand.u32 $0x7, s11;
	s12 =	sadd.s32 s3, s12  }
0x47: {  	[tilespmem:s9], [sflag:$0x2] =	stream.linear.gather [hbm4b:s12+s13], $0x80, $0x38;
	[tilespmem:$0x8100] =	vst v63  }
.LBB2_11:
0x48: {  	s2 =	simm.s32 $0x3  }
0x49: {  	_ =	swait.ge [sflag:s2], $0x4000  }
0x4a: {  	[sflag:s2] =	ssyncset.done $0x0  }
0x4b: {  	[sflag:s2] =	ssyncadd.s32 $0xFFFFC000  }
0x4c: {  	_ =	sfence.sel $0x180000  }
0x4d: {  	s3 =	simm.s32 $0x2;
	[bflag:$0x0] =	sbarrier.arrive $0xFFFF  }
0x4e: {  	[sflag:s3] =	ssyncpa.u1 $0x1  }
0x4f: {  	s31 =	simm.s32 $0x1;
	[sflag:s2] =	ssyncpa.u1 $0x1  }
0x50: {  	[sflag:s31] =	ssyncpa.u1 $0x1  }
0x51: {  	p0 =	sne.s32 s1, $0x0;
	_ =	strace $0x90000047  }
0x52: {  	s0 =	sadd.s32 @!p0 $0x100000, s0;
	[bflag:$0x2] =	sbarrier.arrive $0xFFFF  }
0x53: {  	[sflag:s0] =	ssyncadd.tile.s32 @!p0 $0x1;
	_ =	shalt  }
.Lfunc_end2:
_tile_overlayer_lowered:
.L_overlay_start_2:
0x54: {  	(tag) =	ssettag $0x2  }
0x55: {  	s0 =	rddreg [dreg:$0x0];
	s2 =	stileid.u32  }
0x56: {  	s1 =	rddreg [dreg:$0x1];
	p0 =	sne.s32 s2, $0x0  }
0x57: {  	s3 =	rddreg [dreg:$0x2];
	[bflag:$0x3] =	sbarrier.arrive $0xFFFF;
	s2 =	simm.s32 @!p0 $0x1C01  }
0x58: {  	[timem:s3], [sflag:s2] =	dma.local @!p0 [hbm:s0], s1  }
0x59: {  	s0 =	simm.s32 @!p0 $0x1  }
0x5a: {  	_ =	swait.ge @!p0 [sflag:s0], s1  }
0x5b: {  	s1 =	ssub.s32 @!p0 $0x0, s1;
	[sflag:s0] =	ssyncset.done @!p0 $0x0  }
0x5c: {  	[sflag:s0] =	ssyncadd.s32 @!p0 s1  }
0x5d: {  	[bflag:$0x3] =	sbarrier.arrive $0xFFFF  }
0x5e: {  	_ =	shalt  }

// kernel: kernel.4.cloned.1.call-start
scs
__scs_entry_jumppad:
0x0: {  	(pc) =	sbr.rel $0x88, $3  }
0x1: {  	(tag) =	ssettag $0x0;
	lr =	simm.s32 $0x1  }
0x2: {  	[smem:$0x3F9C] =	sst lr;
	_ =	strace $0xD0000000  }
0x3: {  	_ = 	snop  }
0x4: {  	_ = 	snop  }
0x5: {  	_ = 	snop  }
0x6: {  	_ = 	snop  }
0x7: {  	_ = 	snop  }
__scs_overlays_trampoline_lowered:
0x8: {  	[smem:$0x3FAB] =	sst s0  }
0x9: {  	[smem:$0x3FAC] =	sst s1  }
0xa: {  	[smem:$0x3FAD] =	sst s2  }
0xb: {  	[smem:$0x3FAE] =	sst s3  }
0xc: {  	[smem:$0x3FAF] =	sst s4  }
0xd: {  	[smem:$0x3FB0] =	sst s5  }
0xe: {  	[smem:$0x3FB1] =	sst s6  }
0xf: {  	[smem:$0x3FB2] =	sst s7  }
0x10: {  	[smem:$0x3FB3] =	sst s8  }
0x11: {  	[smem:$0x3FB4] =	sst s9;
	s0 =	simm.s32 @!p0 $0x0  }
0x12: {  	s1 =	sld [smem:$0x3F9A];
	s0 =	simm.s32 @p0 $0x1  }
0x13: {  	[smem:$0x3FB5] =	sst s0;
	s0 =	simm.s32 @!p1 $0x0  }
0x14: {  	s2 =	sld [smem:$0x3F99];
	s0 =	simm.s32 @p1 $0x1  }
0x15: {  	[smem:$0x3FB6] =	sst s0;
	s0 =	simm.s32 @!p2 $0x0  }
0x16: {  	s3 =	sld [smem:$0x3FDB];
	s0 =	simm.s32 @p2 $0x1  }
0x17: {  	s4 =	simm.s32 $0x1BF5;
	[smem:$0x3FB8] =	sst s0  }
0x18: {  	s0 =	sld [smem:$0x3F9B];
	_ =	swait.ge [sflag:s4], $0x0  }
0x19: {  	s7 =	sld [smem:$0x3F9C]  }
0x1a: {  	s8 =	sadd.s32 $0xFFFFE003, lr  }
0x1b: {  	s9 =	sadd.s32 $0xFFFFFEF7, lr;
	s5 =	simm.s32 $0xFFFFFFFF;
	p2 =	slt.u32 s8, $0xFFFFF086  }
0x1c: {  	p1 =	slt.u32 s9, $0xF7A;
	s5 =	simm.s32 @!p2 $0x0  }
0x1d: {  	s5 =	simm.s32 @p1 $0x1;
	p0 =	seq.s32 s7, s2  }
0x1e: {  	s7 =	smul.u32 @!p0 $0xF7A, s2;
	p2 =	seq.s32 @!p0 s5, $0x0  }
0x1f: {  	s9 =	smul.u32 $0xF7A, s1;
	s8 =	simm.s32 @!p0 $0x1BF5;
	p2 =	por !p2, p0  }
0x20: {  	[sflag:s8] =	ssyncset.s32 @!p0 $0xFFFFF086;
	s6 =	sadd.s32 @!p0 s3, s7;
	s7 =	simm.s32 @!p0 $0x108  }
0x21: {  	s3 =	sadd.s32 s3, s9;
	s6 =	sadd.s32 @!p0 $0x88, s6;
	s7 =	simm.s32 @p2 $0x1082  }
0x22: {  	[simem:s7], [sflag:s8] =	dma.local @!p0 [hbm:s6], $0xF7A  }
0x23: {  	s9 =	sor.u32 $0xD0000000, s2;
	s6 =	simm.s32 $0x108;
	_ =	swait.ge @!p0 [sflag:s8], $0x0  }
0x24: {  	s3 =	sadd.s32 $0x88, s3;
	s6 =	simm.s32 @!p1 $0x1082;
	[sflag:s4] =	ssyncset.s32 $0xFFFFF086  }
0x25: {  	[simem:s6], [sflag:s4] =	dma.local [hbm:s3], $0xF7A  }
0x26: {  	[smem:$0x3F9C] =	sst s1;
	(tag) =	ssettag s2;
	_ =	strace s9  }
0x27: {  	s1 =	sld [smem:$0x3FAC]  }
0x28: {  	s2 =	sld [smem:$0x3FAD]  }
0x29: {  	s4 =	sld [smem:$0x3FAF]  }
0x2a: {  	p0 =	seq.s32 s5, $0x0;
	s5 =	sld [smem:$0x3FB0]  }
0x2b: {  	s6 =	sld [smem:$0x3FB1]  }
0x2c: {  	s7 =	sld [smem:$0x3FB2]  }
0x2d: {  	s3 =	simm.s32 $0x108;
	s8 =	sld [smem:$0x3FB3]  }
0x2e: {  	s3 =	simm.s32 @!p0 $0x1082;
	s9 =	sld [smem:$0x3FB4]  }
0x2f: {  	lr =	sadd.s32 s0, s3;
	s0 =	sld [smem:$0x3FAB]  }
0x30: {  	s3 =	sld [smem:$0x3FAE]  }
0x31: {  	[smem:$0x3FB7] =	sst s10  }
0x32: {  	s10 =	sld [smem:$0x3FB5];
	_ =	sdelay $0x3  }
0x33: {  	p0 =	seq.s32 s10, $0x1;
	s10 =	sld [smem:$0x3FB7];
	_ =	sdelay $0x3  }
0x34: {  	[smem:$0x3FB7] =	sst s10  }
0x35: {  	s10 =	sld [smem:$0x3FB6];
	_ =	sdelay $0x3  }
0x36: {  	p1 =	seq.s32 s10, $0x1;
	s10 =	sld [smem:$0x3FB7];
	_ =	sdelay $0x3  }
0x37: {  	[smem:$0x3FB7] =	sst s10  }
0x38: {  	s10 =	sld [smem:$0x3FB8]  }
0x39: {  	_ = 	snop;
	(pc) =	sbr.ind lr, $3  }
0x3a: {  	_ = 	snop  }
0x3b: {  	_ = 	snop  }
0x3c: {  	p2 =	seq.s32 s10, $0x1;
	s10 =	sld [smem:$0x3FB7]  }
0x3d: {  	_ =	shalt  }
0x3e: {  	_ =	shalt  }
0x3f: {  	_ =	shalt  }
0x40: {  	_ =	shalt  }
0x41: {  	_ =	shalt  }
0x42: {  	_ =	shalt  }
0x43: {  	_ =	shalt  }
0x44: {  	_ =	shalt  }
0x45: {  	_ =	shalt  }
0x46: {  	_ =	shalt  }
0x47: {  	_ =	shalt  }
0x48: {  	_ =	shalt  }
0x49: {  	_ =	shalt  }
0x4a: {  	_ =	shalt  }
0x4b: {  	_ =	shalt  }
0x4c: {  	_ =	shalt  }
0x4d: {  	_ =	shalt  }
0x4e: {  	_ =	shalt  }
0x4f: {  	_ =	shalt  }
0x50: {  	_ =	shalt  }
0x51: {  	_ =	shalt  }
0x52: {  	_ =	shalt  }
0x53: {  	_ =	shalt  }
0x54: {  	_ =	shalt  }
0x55: {  	_ =	shalt  }
0x56: {  	_ =	shalt  }
0x57: {  	_ =	shalt  }
0x58: {  	_ =	shalt  }
0x59: {  	_ =	shalt  }
0x5a: {  	_ =	shalt  }
0x5b: {  	_ =	shalt  }
0x5c: {  	_ =	shalt  }
0x5d: {  	_ =	shalt  }
0x5e: {  	_ =	shalt  }
0x5f: {  	_ =	shalt  }
0x60: {  	_ =	shalt  }
0x61: {  	_ =	shalt  }
0x62: {  	_ =	shalt  }
0x63: {  	_ =	shalt  }
0x64: {  	_ =	shalt  }
0x65: {  	_ =	shalt  }
0x66: {  	_ =	shalt  }
0x67: {  	_ =	shalt  }
0x68: {  	_ =	shalt  }
0x69: {  	_ =	shalt  }
0x6a: {  	_ =	shalt  }
0x6b: {  	_ =	shalt  }
0x6c: {  	_ =	shalt  }
0x6d: {  	_ =	shalt  }
0x6e: {  	_ =	shalt  }
0x6f: {  	_ =	shalt  }
0x70: {  	_ =	shalt  }
0x71: {  	_ =	shalt  }
0x72: {  	_ =	shalt  }
0x73: {  	_ =	shalt  }
0x74: {  	_ =	shalt  }
0x75: {  	_ =	shalt  }
0x76: {  	_ =	shalt  }
0x77: {  	_ =	shalt  }
0x78: {  	_ =	shalt  }
0x79: {  	_ =	shalt  }
0x7a: {  	_ =	shalt  }
0x7b: {  	_ =	shalt  }
0x7c: {  	_ =	shalt  }
0x7d: {  	_ =	shalt  }
0x7e: {  	_ =	shalt  }
0x7f: {  	_ =	shalt  }
0x80: {  	_ =	shalt  }
0x81: {  	_ =	shalt  }
0x82: {  	_ =	shalt  }
0x83: {  	_ =	shalt  }
0x84: {  	_ =	shalt  }
0x85: {  	_ =	shalt  }
0x86: {  	_ =	shalt  }
0x87: {  	_ =	shalt  }
.Lfunc_end0:
.L_simem_size_0:
called_computation.1_lowered:
.L_overlay_start_0:
0x88: {  	s2 =	sld [smem:$0x3FD9]  }
0x89: {  	s3 =	sld [smem:$0x3FFE];
	_ =	sdelay $0x1  }
0x8a: {  	s1 =	srdreg.scid  }
0x8b: {  	s0 =	sand.u32 $0x1, s1  }
0x8c: {  	s16 =	sshll.u32 s0, $0xA;
	s2 =	sadd.s32 s3, s2  }
0x8d: {  	s2 =	sadd.s32 s2, s16  }
0x8e: {  	[smem:$0x3FC3] =	sst s2  }
0x8f: {  	_ = 	snop  }
0x90: {  	(tm) =	ssettm $0x1  }
0x91: {  	s17 =	sld [smem:$0x3FFB];
	_ =	sdelay $0x3  }
0x92: {  	_ =	strace s17  }
0x93: {  	s2 =	sld [smem:$0x3FFC];
	_ =	sdelay $0x3  }
0x94: {  	_ =	strace s2  }
0x95: {  	s2 =	sld [smem:$0x3FFD];
	_ =	sdelay $0x3  }
0x96: {  	_ =	strace s2  }
0x97: {  	_ =	strace $0x8FFFFFFF  }
0x98: {  	s18 =	sld [smem:$0x3FDB];
	_ =	sdelay $0x1  }
0x99: {  	s19 =	simm.s32 $_scs_section_size  }
0x9a: {  	s4 =	simm.s32 $_size__tile_overlayer_lowered;
	s5 =	simm.s32 $_tile_overlayer_lowered  }
0x9b: {  	s22 =	simm.s32 $0x1BFF;
	s21 =	sshll.u32 s5, $0x1;
	s2 =	sadd.s32 s19, s18  }
0x9c: {  	s6 =	simm.s32 $0x0;
	s20 =	sshll.u32 s4, $0x1;
	s4 =	sadd.s32 s21, s2  }
0x9d: {  	[timem:s6], [sflag:s22] =	dma.local [hbm:s4], s20  }
0x9e: {  	_ =	swait.ge [sflag:s22], s20  }
0x9f: {  	s3 =	ssub.s32 $0x0, s20;
	[sflag:s22] =	ssyncset.done $0x0  }
0xa0: {  	[sflag:s22] =	ssyncadd.s32 s3;
	_ =	sdelay $0x1  }
0xa1: {  	s23 =	simm.s32 $0x1B8B  }
0xa2: {  	_ =	swait.ge [sflag:s23], $0x1  }
0xa3: {  	[sflag:s23] =	ssyncset.done $0x0  }
0xa4: {  	s25 =	simm.s32 $0x1B8E;
	s24 =	sld [smem:$0x3FFE];
	[sflag:s23] =	ssyncadd.s32 $0xFFFFFFFF  }
0xa5: {  	s26 =	simm.s32 $execute0_lowered;
	[smem:$0x3FD2] =	sst s25  }
0xa6: {  	s4 =	sshll.u32 s26, $0x1;
	_ =	strace $0x80000049;
	[dreg:$0x1] =	wrdreg $0xFFFFFFFF  }
0xa7: {  	s28 =	simm.s32 $_size_execute0_lowered;
	s2 =	sadd.s32 s2, s4;
	[dreg:$0x0] =	wrdreg $0x0  }
0xa8: {  	s4 =	sshll.u32 s28, $0x1;
	[dreg:$0x2] =	wrdreg s2  }
0xa9: {  	[dreg:$0x3] =	wrdreg s4  }
0xaa: {  	[dreg:$0x4] =	wrdreg $0xC0  }
0xab: {  	_ =	task [dreg:s6], $0x5FFFF  }
0xac: {  	[dreg:$0x1] =	wrdreg $0xFFFFFFFF  }
0xad: {  	[dreg:$0x0] =	wrdreg $0x60  }
0xae: {  	[dreg:$0x2] =	wrdreg s24  }
0xaf: {  	[dreg:$0x3] =	wrdreg $0x9  }
0xb0: {  	_ =	task.clear_ibuf [dreg:s6], $0x4FFFF;
	_ =	strace $0x90000049  }
0xb1: {  	s29 =	simm.s32 $0x9;
	_ =	strace $0x8000004B  }
0xb2: {  	_ =	swait.ge [sflag:s29], $0x1  }
0xb3: {  	[sflag:s29] =	ssyncadd.s32 $0xFFFFFFFF  }
0xb4: {  	_ =	strace $0x9000004B  }
0xb5: {  	_ =	sfence  }
0xb6: {  	s30 =	sld [smem:$0x0];
	_ =	sdelay $0x2  }
0xb7: {  	s31 =	sshll.u32 s1, $0xD;
	s1 =	sshrl.u32 s1, $0x2  }
0xb8: {  	s3 =	sand.u32 $0x4000, s31;
	s1 =	sadd.s32 s1, s30  }
0xb9: {  	s0 =	sor.u32 s3, s0;
	s1 =	sshll.u32 s1, $0x11  }
0xba: {  	s0 =	sor.u32 s1, s0  }
0xbb: {  	s0 =	sadd.s32 $0x8F2B, s0  }
0xbc: {  	[sflag:s0] =	ssyncadd.remote.s32 $0x1  }
0xbd: {  	_ =	sfence.sel $0xFFFF  }
0xbe: {  	[dreg:$0x0] =	wrdreg $0xFFFFFFFF;
	(pc) =	sbr.abs _section_cstart, $3  }
0xbf: {  	[dreg:$0x1] =	wrdreg $0xFFFFFFFF  }
0xc0: {  	_ =	task.clear_ibuf [dreg:s6], $0x2FFFF;
	_ =	strace $0x9FFFFFFF  }
0xc1: {  	(tm) =	ssettm $0x7FFFFFFF  }
tec
execute0_lowered:
.L_overlay_start_1:
0x0: {  	(tag) =	ssettag $0x1  }
0x1: {  	s0 =	srdreg.scid;
	s2 =	stileid.u32  }
0x2: {  	s1 =	rddreg [dreg:$0x0];
	s9 =	simm.s32 $0x9;
	s10 =	simm.s32 $0x70  }
0x3: {  	s19 =	simm.s32 $0x230;
	s20 =	simm.s32 $0x11C00;
	s21 =	simm.s32 $0x2A0  }
0x4: {  	s22 =	simm.s32 $0x13800;
	s23 =	simm.s32 $0x310;
	s24 =	simm.s32 $0x15400  }
0x5: {  	s25 =	simm.s32 $0x5;
	s26 =	simm.s32 $0x6;
	s28 =	simm.s32 $0x7  }
0x6: {  	s29 =	simm.s32 $0x8;
	s30 =	simm.s32 $0x0;
	s0 =	sand.u32 $0x1, s0  }
0x7: {  	s3 =	sshll.u32 s2, $0x1;
	s2 =	simm.s32 $0x0;
	s4 =	sadd.s32 $0x9200, s1  }
0x8: {  	s5 =	sor.u32 s0, s3;
	[smem:$0x7FF] =	sst s2;
	s0 =	ssub.s32 $0x2, s0  }
0x9: {  	s3 =	smul.u32 $0xE00, s5;
	_ =	strace $0x8000004A;
	s31 =	sshll.u32 s5, $0xA  }
0xa: {  	s8 =	sshrl.u32 s0, $0x1;
	s5 =	sshll.u32 s5, $0x7;
	s7 =	sadd.s32 s31, s1  }
0xb: {  	v0 =	vlaneseq.u32;
	s0 =	ssub.s32 s0, s8;
	s6 =	sadd.s32 s3, s1;
	s3 =	sadd.s32 $0xF43600, s1  }
0xc: {  	v0 =	vmul.u32 $0x40, v0;
	s7 =	sadd.s32 $0x1200, s7;
	s8 =	smax.u32 s0, $0x1;
	s6 =	sadd.s32 $0x16E4A00, s6  }
.LBB2_1:
0xd: {  	[tilespmem:s2], [sflag:$0x9] =	stream.linear.gather [hbm4b:s6+s2], $0x7000, $0x38;
	[tilespmem:$0x17380] =	vst v63  }
0xe: {  	_ =	swait.ge [sflag:s9], $0x7000  }
0xf: {  	[sflag:s9] =	ssyncset.done $0x0  }
0x10: {  	s17 =	simm.s32 $0x7000;
	[sflag:s9] =	ssyncadd.s32 $0xFFFF9000  }
0x11: {  	[tilespmem:s17], [sflag:$0x9] =	stream.linear.gather [hbm4b:s7+s2], $0x2000, $0x38;
	[tilespmem:$0x17380] =	vst v63  }
0x12: {  	_ =	swait.ge [sflag:s9], $0x2000  }
0x13: {  	[sflag:s9] =	ssyncset.done $0x0  }
0x14: {  	s0 =	simm.s32 $0x9000;
	[sflag:s9] =	ssyncadd.s32 $0xFFFFE000  }
0x15: {  	[tilespmem:s0], [sflag:$0x1] =	stream.indirect.gather [hbm4b:s3+s10], $0x40, s2, s10, $0xb8;
	[tilespmem:$0x17380] =	vst v63  }
0x16: {  	s13 =	simm.s32 $0xAC00  }
0x17: {  	[tilespmem:s13], [sflag:$0x1] =	stream.indirect.gather [hbm4b:s3+s10], $0x40, s10, s10, $0xb8;
	[tilespmem:$0x17380] =	vst v63  }
0x18: {  	s14 =	simm.s32 $0xE0;
	s1 =	simm.s32 $0xC800  }
0x19: {  	[tilespmem:s1], [sflag:$0x2] =	stream.indirect.gather [hbm4b:s3+s10], $0x40, s14, s10, $0xb8;
	[tilespmem:$0x17380] =	vst v63  }
0x1a: {  	s15 =	simm.s32 $0x150;
	s16 =	simm.s32 $0xE400  }
0x1b: {  	[tilespmem:s16], [sflag:$0x2] =	stream.indirect.gather [hbm4b:s3+s10], $0x40, s15, s10, $0xb8;
	[tilespmem:$0x17380] =	vst v63  }
0x1c: {  	s18 =	simm.s32 $0x1C0;
	s31 =	simm.s32 $0x10000  }
0x1d: {  	[tilespmem:s31], [sflag:$0x3] =	stream.indirect.gather [hbm4b:s3+s10], $0x40, s18, s10, $0xb8;
	[tilespmem:$0x17380] =	vst v63  }
0x1e: {  	_ = 	snop  }
0x1f: {  	[tilespmem:s20], [sflag:$0x3] =	stream.indirect.gather [hbm4b:s3+s10], $0x40, s19, s10, $0xb8;
	[tilespmem:$0x17380] =	vst v63  }
0x20: {  	_ = 	snop  }
0x21: {  	[tilespmem:s22], [sflag:$0x4] =	stream.indirect.gather [hbm4b:s3+s10], $0x40, s21, s10, $0xb8;
	[tilespmem:$0x17380] =	vst v63  }
0x22: {  	s1 =	simm.s32 $0x0  }
0x23: {  	[tilespmem:s24], [sflag:$0x4] =	stream.indirect.gather [hbm4b:s3+s10], $0x40, s23, s10, $0xb8;
	[tilespmem:$0x17380] =	vst v63  }
.LBB2_2:
0x24: {  	s0 =	sand.u32 $0x3, s1;
	p0 =	slt.u32 s1, $0x4  }
0x25: {  	s11 =	sadd.s32 @!p0 $0x5, s0  }
0x26: {  	_ =	swait.ge @!p0 [sflag:s11], $0xE0  }
0x27: {  	[sflag:s11] =	ssyncset.done @!p0 $0x0  }
0x28: {  	[sflag:s11] =	ssyncadd.s32 @!p0 $0xFFFFFF20;
	s11 =	sadd.s32 $0x1, s0  }
0x29: {  	_ =	swait.ge [sflag:s11], $0x1C00  }
0x2a: {  	s12 =	smul.u32 $0xE000, s0;
	p0 =	sgt.u32 s1, $0x7B;
	[sflag:s11] =	ssyncset.done $0x0  }
0x2b: {  	s13 =	smul.u32 @!p0 $0x380, s1;
	[sflag:s11] =	ssyncadd.s32 $0xFFFFE400  }
0x2c: {  	s14 =	sshrl.u32 @!p0 s12, $0x2;
	_ =	swait.ge [sflag:s11], $0x1C00  }
0x2d: {  	s18 =	simm.s32 @!p0 $0x70;
	s13 =	sshra.s32 @!p0 s13, $0x2;
	[sflag:s11] =	ssyncset.done $0x0  }
0x2e: {  	s15 =	sadd.s32 @!p0 $0x9000, s14;
	s16 =	sadd.s32 @!p0 $0x380, s13;
	[sflag:s11] =	ssyncadd.s32 $0xFFFFE400  }
0x2f: {  	[tilespmem:s15], [sflag:s11] =	stream.indirect.gather @!p0 [hbm4b:s3+s18], $0x40, s16, s18, $0xb8;
	[tilespmem:$0x17380] =	vst v63  }
0x30: {  	s14 =	sadd.s32 @!p0 $0xAC00, s14;
	s13 =	sadd.s32 @!p0 $0x3F0, s13;
	s16 =	smul.u32 $0x380, s0  }
0x31: {  	[tilespmem:s14], [sflag:s11] =	stream.indirect.gather @!p0 [hbm4b:s3+s18], $0x40, s13, s18, $0xb8;
	[tilespmem:$0x17380] =	vst v63  }
0x32: {  	s31 =	sshrl.u32 s16, $0x2  }
0x33: {  	s12 =	sshrl.u32 s12, $0x2;
	s11 =	sor.u32 $0x17000, s31  }
0x34: {  	s12 =	sadd.s32 $0x9000, s12;
	s13 =	simm.s32 $0x0;
	s14 =	simm.s32 $0x0;
	v1 =	vmov s11  }
.LBB2_3:
0x35: {  	s15 =	sshll.u32 s14, $0x4  }
0x36: {  	v2 =	vmov s15  }
0x37: {  	v2 =	vshll.u32 v2, $0x6  }
0x38: {  	v4 =	vor.u32 v0, v2  }
0x39: {  	v5 =	vor.u32 s13, v4;
	_ =	sdelay $0x1  }
0x3a: {  	v2 =	vor.u32 $0x1, v5  }
0x3b: {  	v3 =	vld [tilespmem:s17+$0x0]  }
0x3c: {  	v6 =	vor.u32 $0x2, v5  }
0x3d: {  	v7 =	vld.idx.msk [tilespmem:v5+s12+$0x0], $0xffff  }
0x3e: {  	v8 =	vor.u32 $0x3, v5  }
0x3f: {  	v2 =	vld.idx.msk [tilespmem:v2+s12+$0x0], $0xffff  }
0x40: {  	v9 =	vor.u32 $0x4, v5;
	v10 =	vbroadcast v3, $0x0  }
0x41: {  	v6 =	vld.idx.msk [tilespmem:v6+s12+$0x0], $0xffff  }
0x42: {  	v11 =	vor.u32 $0x5, v5;
	v7 =	vmul.f32 v10, v7;
	v10 =	vbroadcast v3, $0x1  }
0x43: {  	v12 =	vimm.f32 $0.0e+00;
	v13 =	vor.u32 $0x6, v5;
	v8 =	vld.idx.msk [tilespmem:v8+s12+$0x0], $0xffff  }
0x44: {  	v7 =	vadd.f32 v7, v12;
	v10 =	vmul.f32 v2, v10;
	v12 =	vbroadcast v3, $0x2  }
0x45: {  	v9 =	vld.idx.msk [tilespmem:v9+s12+$0x0], $0xffff  }
0x46: {  	v7 =	vadd.f32 v10, v7;
	v6 =	vmul.f32 v6, v12;
	v10 =	vbroadcast v3, $0x3  }
0x47: {  	v5 =	vor.u32 $0x7, v5;
	v11 =	vld.idx.msk [tilespmem:v11+s12+$0x0], $0xffff;
	v2 =	vor.u32 $0x8, v4  }
0x48: {  	v6 =	vadd.f32 v6, v7;
	v7 =	vmul.f32 v8, v10;
	v8 =	vbroadcast v3, $0x4  }
0x49: {  	v12 =	vor.u32 s13, v2;
	v10 =	vld.idx.msk [tilespmem:v13+s12+$0x0], $0xffff  }
0x4a: {  	v6 =	vadd.f32 v7, v6;
	v7 =	vmul.f32 v9, v8;
	v8 =	vbroadcast v3, $0x5  }
0x4b: {  	v13 =	vor.u32 $0x1, v12  }
0x4c: {  	v5 =	vld.idx.msk [tilespmem:v5+s12+$0x0], $0xffff;
	v6 =	vadd.f32 v7, v6;
	v7 =	vmul.f32 v11, v8;
	v8 =	vbroadcast v3, $0x6  }
0x4d: {  	v9 =	vor.u32 $0x2, v12  }
0x4e: {  	v11 =	vld.idx.msk [tilespmem:v12+s12+$0x0], $0xffff;
	v6 =	vadd.f32 v7, v6;
	v7 =	vmul.f32 v10, v8  }
0x4f: {  	v8 =	vbroadcast v3, $0x7;
	v10 =	vor.u32 $0x3, v12  }
0x50: {  	v13 =	vld.idx.msk [tilespmem:v13+s12+$0x0], $0xffff;
	v6 =	vadd.f32 v7, v6  }
0x51: {  	v5 =	vmul.f32 v5, v8;
	v7 =	vbroadcast v3, $0x8;
	v8 =	vor.u32 $0x4, v12  }
0x52: {  	v14 =	vor.u32 $0x5, v12;
	v15 =	vld.idx.msk [tilespmem:v9+s12+$0x0], $0xffff  }
0x53: {  	v5 =	vadd.f32 v5, v6;
	v6 =	vmul.f32 v11, v7;
	v7 =	vbroadcast v3, $0x9  }
0x54: {  	v9 =	vld.idx.msk [tilespmem:v10+s12+$0x0], $0xffff;
	v10 =	vor.u32 $0x6, v12  }
0x55: {  	v5 =	vadd.f32 v6, v5;
	v6 =	vmul.f32 v13, v7;
	v13 =	vbroadcast v3, $0xA  }
0x56: {  	v7 =	vor.u32 $0x7, v12;
	v8 =	vld.idx.msk [tilespmem:v8+s12+$0x0], $0xffff  }
0x57: {  	s16 =	simm.s32 $0x10;
	v11 =	vadd.f32 v6, v5;
	v12 =	vmul.f32 v15, v13;
	v13 =	vbroadcast v3, $0xB  }
0x58: {  	s18 =	simm.s32 $0x20;
	s31 =	smov.u32 s17;
	v6 =	vld.idx.msk [tilespmem:v14+s12+$0x0], $0xffff;
	v5 =	vor.u32 s16, v4  }
.LBB2_4:
0x59: {  	p0 =	sne.s32 s18, $0x30;
	v11 =	vadd.f32 v12, v11;
	v9 =	vmul.f32 v9, v13;
	v12 =	vbroadcast v3, $0xC;
	v10 =	vld.idx.msk [tilespmem:v10+s12+$0x0], $0xffff  }
0x5a: {  	v13 =	vor.u32 $0x1, v5  }
0x5b: {  	s31 =	sadd.s32 $0x10, s31;
	v9 =	vadd.f32 v9, v11;
	v8 =	vmul.f32 v8, v12;
	v11 =	vbroadcast v3, $0xD;
	v7 =	vld.idx.msk [tilespmem:v7+s12+$0x0], $0xffff  }
0x5c: {  	v14 =	vor.u32 $0x2, v5;
	v12 =	vld [tilespmem:s31+$0x0]  }
0x5d: {  	v15 =	vld.idx.msk [tilespmem:v5+s12+$0x0], $0xffff;
	v8 =	vadd.f32 v8, v9;
	v6 =	vmul.f32 v6, v11;
	v9 =	vbroadcast v3, $0xE  }
0x5e: {  	v11 =	vor.u32 $0x3, v5  }
0x5f: {  	v16 =	vbroadcast v3, $0xF;
	v13 =	vld.idx.msk [tilespmem:v13+s12+$0x0], $0xffff;
	v6 =	vadd.f32 v6, v8;
	v8 =	vmul.f32 v10, v9  }
0x60: {  	v9 =	vor.u32 $0x4, v5  }
0x61: {  	v7 =	vmul.f32 v7, v16;
	v10 =	vbroadcast v12, $0x0;
	v14 =	vld.idx.msk [tilespmem:v14+s12+$0x0], $0xffff;
	v6 =	vadd.f32 v8, v6;
	v3 =	vmovc v12  }
0x62: {  	v8 =	vor.u32 $0x5, v5  }
0x63: {  	v12 =	vbroadcast v3, $0x1;
	v10 =	vmul.f32 v10, v15;
	v11 =	vld.idx.msk [tilespmem:v11+s12+$0x0], $0xffff;
	v6 =	vadd.f32 v7, v6  }
0x64: {  	v7 =	vor.u32 $0x6, v5  }
0x65: {  	v6 =	vadd.f32 v10, v6;
	v10 =	vmul.f32 v13, v12;
	v12 =	vbroadcast v3, $0x2;
	v9 =	vld.idx.msk [tilespmem:v9+s12+$0x0], $0xffff  }
0x66: {  	v5 =	vor.u32 $0x7, v5  }
0x67: {  	v6 =	vadd.f32 v10, v6;
	v10 =	vmul.f32 v14, v12;
	v12 =	vbroadcast v3, $0x3;
	v8 =	vld.idx.msk [tilespmem:v8+s12+$0x0], $0xffff  }
0x68: {  	v13 =	vor.u32 s16, v2;
	s16 =	smov.u32 s18  }
0x69: {  	v6 =	vadd.f32 v10, v6;
	v10 =	vmul.f32 v11, v12;
	v11 =	vbroadcast v3, $0x4;
	v7 =	vld.idx.msk [tilespmem:v7+s12+$0x0], $0xffff  }
0x6a: {  	v12 =	vor.u32 $0x1, v13  }
0x6b: {  	v6 =	vadd.f32 v10, v6;
	v9 =	vmul.f32 v9, v11;
	v10 =	vbroadcast v3, $0x5;
	v5 =	vld.idx.msk [tilespmem:v5+s12+$0x0], $0xffff  }
0x6c: {  	v11 =	vor.u32 $0x2, v13  }
0x6d: {  	v6 =	vadd.f32 v9, v6;
	v8 =	vmul.f32 v8, v10;
	v9 =	vbroadcast v3, $0x6;
	v10 =	vld.idx.msk [tilespmem:v13+s12+$0x0], $0xffff  }
0x6e: {  	v14 =	vor.u32 $0x3, v13  }
0x6f: {  	v6 =	vadd.f32 v8, v6;
	v7 =	vmul.f32 v7, v9;
	v8 =	vbroadcast v3, $0x7;
	v12 =	vld.idx.msk [tilespmem:v12+s12+$0x0], $0xffff  }
0x70: {  	v15 =	vor.u32 $0x4, v13  }
0x71: {  	v6 =	vadd.f32 v7, v6;
	v5 =	vmul.f32 v5, v8;
	v7 =	vbroadcast v3, $0x8;
	v16 =	vld.idx.msk [tilespmem:v11+s12+$0x0], $0xffff  }
0x72: {  	v17 =	vor.u32 $0x5, v13  }
0x73: {  	v5 =	vadd.f32 v5, v6;
	v6 =	vmul.f32 v10, v7;
	v7 =	vbroadcast v3, $0x9;
	v9 =	vld.idx.msk [tilespmem:v14+s12+$0x0], $0xffff  }
.Ltmp0:
0x74: {  	v10 =	vor.u32 $0x6, v13;
	(pc) =	sbr.rel @p0 .LBB2_4-.Ltmp0, $4  }
0x75: {  	v5 =	vadd.f32 v6, v5;
	v6 =	vmul.f32 v12, v7;
	v12 =	vbroadcast v3, $0xA;
	v8 =	vld.idx.msk [tilespmem:v15+s12+$0x0], $0xffff  }
0x76: {  	v7 =	vor.u32 $0x7, v13  }
0x77: {  	v13 =	vbroadcast v3, $0xB;
	v11 =	vadd.f32 v6, v5;
	v12 =	vmul.f32 v16, v12;
	v6 =	vld.idx.msk [tilespmem:v17+s12+$0x0], $0xffff  }
0x78: {  	s18 =	sadd.s32 $0x10, s18;
	v5 =	vor.u32 s16, v4  }
0x79: {  	_ =	sdelay $0x2  }
0x7a: {  	v4 =	vadd.f32 v12, v11;
	v9 =	vmul.f32 v9, v13;
	v57 =	vbroadcast v3, $0xC  }
0x7b: {  	v10 =	vld.idx.msk [tilespmem:v10+s12+$0x0], $0xffff;
	v58 =	vor.u32 $0x1, v5  }
0x7c: {  	v59 =	vbroadcast v3, $0xD;
	v7 =	vld.idx.msk [tilespmem:v7+s12+$0x0], $0xffff;
	s18 =	sadd.s32 $0x10, s31;
	v4 =	vadd.f32 v9, v4;
	v8 =	vmul.f32 v8, v57  }
0x7d: {  	v60 =	vor.u32 $0x2, v5;
	v11 =	vld [tilespmem:s18+$0x0]  }
0x7e: {  	v61 =	vbroadcast v3, $0xE;
	v6 =	vmul.f32 v6, v59;
	v4 =	vadd.f32 v8, v4  }
0x7f: {  	v62 =	vld.idx.msk [tilespmem:v5+s12+$0x0], $0xffff;
	v14 =	vor.u32 $0x3, v5  }
0x80: {  	v3 =	vbroadcast v3, $0xF;
	v63 =	vmul.f32 v10, v61;
	v4 =	vadd.f32 v6, v4  }
0x81: {  	v17 =	vor.u32 $0x4, v5;
	v16 =	vld.idx.msk [tilespmem:v58+s12+$0x0], $0xffff  }
0x82: {  	v3 =	vmul.f32 v7, v3;
	v18 =	vbroadcast v11, $0x0;
	v4 =	vadd.f32 v63, v4  }
0x83: {  	v20 =	vor.u32 $0x5, v5;
	v19 =	vld.idx.msk [tilespmem:v60+s12+$0x0], $0xffff  }
0x84: {  	v21 =	vbroadcast v11, $0x1;
	v9 =	vmul.f32 v18, v62;
	v3 =	vadd.f32 v3, v4  }
0x85: {  	v23 =	vor.u32 $0x6, v5;
	v22 =	vld.idx.msk [tilespmem:v14+s12+$0x0], $0xffff  }
0x86: {  	v24 =	vbroadcast v11, $0x2;
	v8 =	vmul.f32 v16, v21;
	v3 =	vadd.f32 v9, v3  }
0x87: {  	v25 =	vor.u32 $0x7, v5;
	v10 =	vld.idx.msk [tilespmem:v17+s12+$0x0], $0xffff  }
0x88: {  	v26 =	vbroadcast v11, $0x3;
	v6 =	vmul.f32 v19, v24;
	v3 =	vadd.f32 v8, v3  }
0x89: {  	v2 =	vor.u32 s16, v2;
	v7 =	vld.idx.msk [tilespmem:v20+s12+$0x0], $0xffff  }
0x8a: {  	v27 =	vbroadcast v11, $0x4;
	v4 =	vmul.f32 v22, v26;
	v3 =	vadd.f32 v6, v3  }
0x8b: {  	v29 =	vor.u32 $0x1, v2;
	v28 =	vld.idx.msk [tilespmem:v23+s12+$0x0], $0xffff  }
0x8c: {  	v31 =	vbroadcast v11, $0x5;
	v30 =	vmul.f32 v10, v27;
	v3 =	vadd.f32 v4, v3  }
0x8d: {  	v32 =	vor.u32 $0x2, v2;
	v5 =	vld.idx.msk [tilespmem:v25+s12+$0x0], $0xffff  }
0x8e: {  	v34 =	vbroadcast v11, $0x6;
	v33 =	vmul.f32 v7, v31;
	v3 =	vadd.f32 v30, v3  }
0x8f: {  	v36 =	vor.u32 $0x3, v2;
	v35 =	vld.idx.msk [tilespmem:v2+s12+$0x0], $0xffff  }
0x90: {  	v38 =	vbroadcast v11, $0x7;
	v37 =	vmul.f32 v28, v34;
	v3 =	vadd.f32 v33, v3  }
0x91: {  	v40 =	vor.u32 $0x4, v2;
	v39 =	vld.idx.msk [tilespmem:v29+s12+$0x0], $0xffff  }
0x92: {  	v42 =	vbroadcast v11, $0x8;
	v41 =	vmul.f32 v5, v38;
	v3 =	vadd.f32 v37, v3  }
0x93: {  	v44 =	vor.u32 $0x5, v2;
	v43 =	vld.idx.msk [tilespmem:v32+s12+$0x0], $0xffff  }
0x94: {  	v46 =	vbroadcast v11, $0x9;
	v45 =	vmul.f32 v35, v42;
	v3 =	vadd.f32 v41, v3  }
0x95: {  	v48 =	vor.u32 $0x6, v2;
	v47 =	vld.idx.msk [tilespmem:v36+s12+$0x0], $0xffff  }
0x96: {  	v50 =	vbroadcast v11, $0xA;
	v49 =	vmul.f32 v39, v46;
	v3 =	vadd.f32 v45, v3  }
0x97: {  	v2 =	vor.u32 $0x7, v2;
	v51 =	vld.idx.msk [tilespmem:v40+s12+$0x0], $0xffff  }
0x98: {  	v53 =	vbroadcast v11, $0xB;
	v52 =	vmul.f32 v43, v50;
	v3 =	vadd.f32 v49, v3  }
0x99: {  	v54 =	vld.idx.msk [tilespmem:v44+s12+$0x0], $0xffff  }
0x9a: {  	v56 =	vbroadcast v11, $0xC;
	v55 =	vmul.f32 v47, v53;
	v3 =	vadd.f32 v52, v3  }
0x9b: {  	v57 =	vld.idx.msk [tilespmem:v48+s12+$0x0], $0xffff  }
0x9c: {  	v59 =	vbroadcast v11, $0xD;
	v58 =	vmul.f32 v51, v56;
	v3 =	vadd.f32 v55, v3  }
0x9d: {  	v2 =	vld.idx.msk [tilespmem:v2+s12+$0x0], $0xffff  }
0x9e: {  	v61 =	vbroadcast v11, $0xE;
	v60 =	vmul.f32 v54, v59;
	v3 =	vadd.f32 v58, v3;
	_ =	sdelay $0x1  }
0x9f: {  	s14 =	sadd.s32 $0x1, s14;
	v63 =	vbroadcast v11, $0xF;
	v62 =	vmul.f32 v57, v61;
	v3 =	vadd.f32 v60, v3  }
0xa0: {  	p0 =	sne.s32 s14, $0xE  }
.Ltmp1:
0xa1: {  	v2 =	vmul.f32 v2, v63;
	v3 =	vadd.f32 v62, v3;
	(pc) =	sbr.rel @p0 .LBB2_3-.Ltmp1, $3  }
0xa2: {  	_ = 	snop  }
0xa3: {  	v2 =	vadd.f32 v2, v3;
	_ =	sdelay $0x1  }
0xa4: {  	[tilespmem:v1+s15+$0x0 ss:$0x1] =	vst.idx.msk $0xffff, v2  }
0xa5: {  	s12 =	sadd.s32 s5, s1;
	s1 =	sadd.s32 $0x1, s1  }
0xa6: {  	p0 =	sne.s32 s1, $0x80  }
.Ltmp2:
0xa7: {  	_ = 	snop;
	(pc) =	sbr.rel @p0 .LBB2_2-.Ltmp2, $3  }
0xa8: {  	s12 =	smul.u32 $0x1C, s12;
	_ =	sdelay $0x1  }
0xa9: {  	s0 =	sadd.s32 $0x5, s0;
	s17 =	sadd.s32 $0x40, s17;
	s12 =	sadd.s32 s4, s12  }
0xaa: {  	[hbm4b:s12+s2] =	stream.linear.scatter [tilespmem:s11], [sflag:s0], $0xE0, $0x38;
	[tilespmem:$0x17380] =	vst v63  }
0xab: {  	_ =	swait.ge [sflag:s25], $0xE0  }
0xac: {  	[sflag:s25] =	ssyncset.done $0x0  }
0xad: {  	[sflag:s25] =	ssyncadd.s32 $0xFFFFFF20  }
0xae: {  	_ =	swait.ge [sflag:s26], $0xE0  }
0xaf: {  	[sflag:s26] =	ssyncset.done $0x0  }
0xb0: {  	s30 =	sadd.s32 $0x1, s30;
	[sflag:s26] =	ssyncadd.s32 $0xFFFFFF20  }
0xb1: {  	p0 =	sne.s32 s30, s8;
	_ =	swait.ge [sflag:s28], $0xE0  }
.Ltmp3:
0xb2: {  	[sflag:s28] =	ssyncset.done $0x0;
	(pc) =	sbr.rel @p0 .LBB2_1-.Ltmp3, $4  }
0xb3: {  	[sflag:s28] =	ssyncadd.s32 $0xFFFFFF20  }
0xb4: {  	_ =	swait.ge [sflag:s29], $0xE0  }
0xb5: {  	[sflag:s29] =	ssyncset.done $0x0  }
0xb6: {  	[sflag:s29] =	ssyncadd.s32 $0xFFFFFF20  }
0xb7: {  	_ =	sfence.sel $0x180000  }
0xb8: {  	[bflag:$0x0] =	sbarrier.arrive $0xFFFF  }
0xb9: {  	_ =	strace $0x9000004A  }
0xba: {  	s0 =	stileid.u32;
	[bflag:$0x2] =	sbarrier.arrive $0xFFFF  }
0xbb: {  	p0 =	sne.s32 s0, $0x0;
	s0 =	rddreg [dreg:$0x1]  }
0xbc: {  	s0 =	sadd.s32 @!p0 $0x100000, s0  }
0xbd: {  	[sflag:s0] =	ssyncadd.tile.s32 @!p0 $0x1;
	_ =	shalt  }
.Lfunc_end2:
_tile_overlayer_lowered:
.L_overlay_start_2:
0xbe: {  	(tag) =	ssettag $0x2  }
0xbf: {  	s0 =	rddreg [dreg:$0x0];
	s2 =	stileid.u32  }
0xc0: {  	s1 =	rddreg [dreg:$0x1];
	p0 =	sne.s32 s2, $0x0  }
0xc1: {  	s3 =	rddreg [dreg:$0x2];
	[bflag:$0x3] =	sbarrier.arrive $0xFFFF;
	s2 =	simm.s32 @!p0 $0x1C09  }
0xc2: {  	[timem:s3], [sflag:s2] =	dma.local @!p0 [hbm:s0], s1  }
0xc3: {  	s0 =	simm.s32 @!p0 $0x9  }
0xc4: {  	_ =	swait.ge @!p0 [sflag:s0], s1  }
0xc5: {  	s1 =	ssub.s32 @!p0 $0x0, s1;
	[sflag:s0] =	ssyncset.done @!p0 $0x0  }
0xc6: {  	[sflag:s0] =	ssyncadd.s32 @!p0 s1  }
0xc7: {  	[bflag:$0x3] =	sbarrier.arrive $0xFFFF  }
0xc8: {  	_ =	shalt  }

</sc_bundles>
